<compile_context>
chip_gen: v7x
topology: tpu7x:2x2x1
jax: 0.10.2.dev20260603
libtpu: 0.0.44.dev20260713+nightly
codegen_flags: <defaults>
</compile_context>

<pallas_src>
import jax
import jax.numpy as jnp
from jax import lax
from jax.experimental import pallas as pl
from jax.experimental.pallas import tpu as pltpu
from jax.experimental.pallas import tpu_sc as plsc

_MIN_N = 2
_MAX_N = 5
_K = 8
_B = 64
_L = 8192
_PAD = 32
_NC = 2
_NS = 16

_SHIFT = 27
_BIG = 1 << _SHIFT


def _vmin_all(v, red):
    red[pl.ds(0, 16)] = v
    for sh in (8, 4, 2, 1):
        m = jnp.minimum(red[pl.ds(0, 16)], red[pl.ds(sh, 16)])
        red[pl.ds(0, 16)] = m
    return red[pl.ds(0, 16)][0]


def _scan_sequence(b, tok, meta_v, red):
    ln = meta_v[pl.ds(b, 16)][0]
    iota = lax.iota(jnp.int32, 16)
    one = jnp.full((16,), jnp.int32(1))
    zero = jnp.full((16,), jnp.int32(0))

    sfxv = tok[pl.ds(ln - 5, 16)]
    s0, s1, s2, s3, s4 = (jnp.full((16,), sfxv[j], jnp.int32) for j in range(5))

    bigv = jnp.full((16,), _BIG, jnp.int32)

    nstep = (ln + 13) // 16
    hi = nstep * 16

    def cand(x, widx):
        return widx + (jnp.minimum(x, one) << _SHIFT)

    @plsc.parallel_loop(0, hi, 16, unroll=16, carry=(bigv,))
    def _loop1(base, c):
        (fv2,) = c
        a0 = tok[pl.ds(base, 16)]
        a1 = tok[pl.ds(base + 1, 16)]
        x2 = (a0 ^ s3) | (a1 ^ s4)
        fv2 = jnp.minimum(fv2, cand(x2, base + iota))
        return (fv2,)

    (fv2,) = _loop1
    red[pl.ds(16, 16)] = bigv
    g2 = _vmin_all(fv2, red)

    start = jnp.maximum(g2 - 3, 0)

    @plsc.parallel_loop(start, hi, 16, unroll=2, carry=(bigv, bigv, bigv))
    def _loop2(base, c):
        fv3, fv4, fv5 = c
        a0 = tok[pl.ds(base, 16)]
        a1 = tok[pl.ds(base + 1, 16)]
        a2 = tok[pl.ds(base + 2, 16)]
        a3 = tok[pl.ds(base + 3, 16)]
        a4 = tok[pl.ds(base + 4, 16)]
        d31 = a1 ^ s3
        d42 = a2 ^ s4
        x3 = (a0 ^ s2) | (d31 | d42)
        d32 = a2 ^ s3
        d43 = a3 ^ s4
        x4 = ((a0 ^ s1) | (a1 ^ s2)) | (d32 | d43)
        x5 = (((a0 ^ s0) | (a1 ^ s1)) | ((a2 ^ s2) | (a3 ^ s3))) | (a4 ^ s4)
        widx = base + iota
        fv3 = jnp.minimum(fv3, cand(x3, widx))
        fv4 = jnp.minimum(fv4, cand(x4, widx))
        fv5 = jnp.minimum(fv5, cand(x5, widx))
        return (fv3, fv4, fv5)

    fv3, fv4, fv5 = _loop2
    g3 = _vmin_all(fv3, red)
    g4 = _vmin_all(fv4, red)
    g5 = _vmin_all(fv5, red)
    f2 = jnp.where(g2 <= ln - 3, g2, _BIG)
    f3 = jnp.where(g3 <= ln - 4, g3, _BIG)
    f4 = jnp.where(g4 <= ln - 5, g4, _BIG)
    f5 = jnp.where(g5 <= ln - 6, g5, _BIG)

    pos = jnp.where(f5 < _BIG, f5, jnp.where(f4 < _BIG, f4, jnp.where(f3 < _BIG, f3, f2)))
    nbest = jnp.where(f5 < _BIG, 5, jnp.where(f4 < _BIG, 4, jnp.where(f3 < _BIG, 3, 2)))
    has = pos < _BIG
    start = jnp.where(has, pos + nbest, 0)

    d = tok[pl.ds(start, 16)]
    avail = jnp.where(has, jnp.minimum(ln - start, _K), 0)
    q = jnp.minimum(jnp.maximum(jnp.full((16,), avail, jnp.int32) - iota, zero), one)
    m = -q
    d16 = (d & m) | ~m
    ck = jnp.minimum(iota ^ _K, one) - one
    ef = jnp.where(has, 0, 1)
    return (d16 & ~ck) | (jnp.full((16,), ef, jnp.int32) & ck)


@pl.kernel(
    out_type=jax.ShapeDtypeStruct((_B, 16), jnp.int32),
    mesh=plsc.VectorSubcoreMesh(core_axis_name="c", subcore_axis_name="s"),
    scratch_types=[
        pltpu.VMEM((_L + _PAD,), jnp.int32),
        pltpu.VMEM((_L + _PAD,), jnp.int32),
        pltpu.VMEM((2 * _B + 16,), jnp.int32),
        pltpu.VMEM((16,), jnp.int32),
        pltpu.VMEM((16,), jnp.int32),
        pltpu.VMEM((32,), jnp.int32),
        pltpu.SemaphoreType.DMA,
        pltpu.SemaphoreType.DMA,
    ],
)
def _ngram_sc(nt_hbm, perm_hbm, tok_hbm, out_hbm, tokA, tokB, meta_v, stageA,
              stageB, red, semA, semB):
    wid = lax.axis_index("s") * _NC + lax.axis_index("c")
    pltpu.sync_copy(perm_hbm, meta_v.at[pl.ds(_B, _B)])
    b0 = meta_v[pl.ds(_B + wid, 16)][0]
    b1 = meta_v[pl.ds(2 * _B - 1 - wid, 16)][0]
    cpA = pltpu.async_copy(tok_hbm.at[b0], tokA.at[pl.ds(0, _L)], semA)
    cpB = pltpu.async_copy(tok_hbm.at[b1], tokB.at[pl.ds(0, _L)], semB)
    pltpu.sync_copy(nt_hbm, meta_v.at[pl.ds(0, _B)])
    zeros = jnp.zeros((16,), jnp.int32)
    tokA[pl.ds(_L, 16)] = zeros
    tokA[pl.ds(_L + 16, 16)] = zeros
    tokB[pl.ds(_L, 16)] = zeros
    tokB[pl.ds(_L + 16, 16)] = zeros
    cpA.wait()
    stageA[...] = _scan_sequence(b0, tokA, meta_v, red)
    cpOA = pltpu.async_copy(stageA, out_hbm.at[b0], semA)
    cpB.wait()
    stageB[...] = _scan_sequence(b1, tokB, meta_v, red)
    cpOB = pltpu.async_copy(stageB, out_hbm.at[b1], semB)
    cpOA.wait()
    cpOB.wait()


def kernel(num_tokens_no_spec, token_ids_gpu, combined_mask):
    perm = jnp.argsort(num_tokens_no_spec).astype(jnp.int32)
    out = _ngram_sc(num_tokens_no_spec, perm, token_ids_gpu)
    draft_tokens = jnp.where(combined_mask[:, None], out[:, :_K], -1)
    is_empty = jnp.all(draft_tokens == -1, axis=1)
    return (draft_tokens, is_empty)

# --- scband reference (transcript-rebuilt; emitter-appended) ---
"""Pipeline reference for scband-ngram-gpukernel-13709535609523 (READ-ONLY COPY).

The authoritative reference and input builder live on the scoring server;
editing this copy changes nothing except your own understanding.
"""

import jax, jax.numpy as jnp
import numpy as np

MIN_N = 2
MAX_N = 5
K = 8
BATCH = 64
MAX_LEN = 8192
VOCAB = 32000


def _find_first_and_extract(token_ids, seq_lengths, min_n, max_n, num_draft):
    B, L = token_ids.shape
    num_sizes = max_n - min_n + 1
    ngram_lengths = jnp.arange(min_n, max_n + 1)
    batch_idx = jnp.arange(B)
    cols = []
    for n in range(min_n, max_n + 1):
        num_windows = L - n + 1
        win_idx = jnp.arange(num_windows)[:, None] + jnp.arange(n)[None, :]
        search_windows = token_ids[:, win_idx]  # [B, W, n] (torch unfold)
        suffix_starts = seq_lengths - n
        suffix_indices = jnp.clip(suffix_starts[:, None] + jnp.arange(n)[None, :], 0, None)
        suffix = jnp.take_along_axis(token_ids, suffix_indices, axis=1)  # [B, n]
        matches = jnp.all(search_windows == suffix[:, None, :], axis=-1)  # [B, W]
        max_valid_suffix_start = seq_lengths - n - 1
        window_positions = jnp.arange(num_windows)
        valid_mask = window_positions[None, :] <= max_valid_suffix_start[:, None]
        final_matches = matches & valid_mask
        first_match_idx = jnp.argmax(final_matches.astype(jnp.int32), axis=1)
        has_match = final_matches[batch_idx, first_match_idx]
        cols.append(jnp.where(has_match, first_match_idx, -1))
    first_match_positions = jnp.stack(cols, axis=1)  # [B, num_sizes]
    rev = jnp.flip((first_match_positions >= 0).astype(jnp.int32), axis=1)
    best_ngram_idx = num_sizes - 1 - jnp.argmax(rev, axis=1)
    best_match_pos = first_match_positions[batch_idx, best_ngram_idx]
    has_any_match = best_match_pos >= 0
    best_ngram_lengths = ngram_lengths[best_ngram_idx]
    draft_start = jnp.where(has_any_match, best_match_pos + best_ngram_lengths, jnp.zeros_like(best_match_pos))
    tokens_available = seq_lengths - draft_start
    draft_indices = jnp.clip(draft_start[:, None] + jnp.arange(num_draft)[None, :], 0, L - 1)
    draft_tokens = jnp.take_along_axis(token_ids, draft_indices, axis=1)
    position_indices = jnp.arange(num_draft)[None, :]
    valid_positions = position_indices < tokens_available[:, None]
    draft_tokens = jnp.where(valid_positions, draft_tokens, -1)
    draft_tokens = jnp.where(has_any_match[:, None], draft_tokens, -1)
    return draft_tokens


def setup_inputs(seed: int = 0) -> dict:
    key = jax.random.key(seed)
    k1, k2 = jax.random.split(key)
    token_ids_gpu = jax.random.randint(k1, (BATCH, MAX_LEN), 0, VOCAB, dtype=jnp.int32)
    num_tokens_no_spec = jax.random.randint(k2, (BATCH,), 64, MAX_LEN, dtype=jnp.int32)
    combined_mask = jnp.ones((BATCH,), dtype=jnp.bool_)
    return {
        'num_tokens_no_spec': num_tokens_no_spec,
        'token_ids_gpu': token_ids_gpu,
        'combined_mask': combined_mask,
    }


def reference(num_tokens_no_spec, token_ids_gpu, combined_mask):
    results = _find_first_and_extract(token_ids_gpu, num_tokens_no_spec, MIN_N, MAX_N, K)
    draft_tokens = jnp.where(combined_mask[:, None], results, -1).astype(jnp.int32)
    is_empty_draft_tokens = jnp.all(draft_tokens == -1, axis=1)
    return (draft_tokens, is_empty_draft_tokens)

if __name__ == "__main__":
    import jax
    _d = setup_inputs()
    print(jax.jit(kernel)(*tuple(_d.values())))

</pallas_src>

<mosaic_0001>
#map = affine_map<(d0, d1) -> (0)>
#map1 = affine_map<(d0, d1) -> (0, 0)>
module attributes {stable_mosaic.version = 14 : i64} {
  func.func @_ngram_sc(%arg0: i32, %arg1: i32, %arg2: memref<64xi32, #tpu.memory_space<hbm>>, %arg3: memref<64xi32, #tpu.memory_space<hbm>>, %arg4: memref<64x8192xi32, #tpu.memory_space<hbm>>, %arg5: memref<64x16xi32, #tpu.memory_space<hbm>>, %arg6: memref<8224xi32, #tpu.memory_space<vmem>>, %arg7: memref<8224xi32, #tpu.memory_space<vmem>>, %arg8: memref<144xi32, #tpu.memory_space<vmem>>, %arg9: memref<16xi32, #tpu.memory_space<vmem>>, %arg10: memref<16xi32, #tpu.memory_space<vmem>>, %arg11: memref<32xi32, #tpu.memory_space<vmem>>, %arg12: memref<!tpu.dma_semaphore, #tpu.memory_space<semaphore_mem>>, %arg13: memref<!tpu.dma_semaphore, #tpu.memory_space<semaphore_mem>>) attributes {dimension_semantics = [#tpu.dimension_semantics<core_parallel>, #tpu.dimension_semantics<subcore_parallel>], iteration_bounds = array<i64: 2, 16>, scalar_prefetch = 0 : i64, scratch_operands = 8 : i64, tpu.core_type = #tpu.core_type<sc_vector_subcore>, window_params = [{transform_indices = #map}, {transform_indices = #map}, {transform_indices = #map1}, {transform_indices = #map1}]} {
    %mul3A = arith.constant 2 : i32
    %mul3A_0 = arith.muli %arg1, %mul3A : i32
    %add3A = arith.addi %mul3A_0, %arg0 : i32
    "tpu.region"() ({
      %run_scoped3A = tpu.sem_alloc : memref<!tpu.dma_semaphore, #tpu.memory_space<semaphore_mem>>
      %dma_start3A_810 = arith.constant 64 : i32
      %dma_start3A_811 = tpu.memref_slice %arg8[%dma_start3A_810] : memref<144xi32, #tpu.memory_space<vmem>> -> memref<64xi32, #tpu.memory_space<vmem>>
      %dma_start3A_812 = arith.constant 64 : i32
      %dma_start3A_813 = tpu.memref_slice %arg8[%dma_start3A_812] : memref<144xi32, #tpu.memory_space<vmem>> -> memref<64xi32, #tpu.memory_space<vmem>>
      tpu.enqueue_dma source(%arg3 : memref<64xi32, #tpu.memory_space<hbm>>) target(%dma_start3A_813 : memref<64xi32, #tpu.memory_space<vmem>>) target_semaphore(%run_scoped3A : memref<!tpu.dma_semaphore, #tpu.memory_space<semaphore_mem>>)
      %dma_wait3A_814 = arith.constant 64 : i32
      %dma_wait3A_815 = tpu.memref_slice %arg8[%dma_wait3A_814] : memref<144xi32, #tpu.memory_space<vmem>> -> memref<64xi32, #tpu.memory_space<vmem>>
      %dma_wait3A_816 = arith.constant 64 : i32
      %dma_wait3A_817 = tpu.memref_slice %arg8[%dma_wait3A_816] : memref<144xi32, #tpu.memory_space<vmem>> -> memref<64xi32, #tpu.memory_space<vmem>>
      tpu.wait_dma2 semaphore(%run_scoped3A : memref<!tpu.dma_semaphore, #tpu.memory_space<semaphore_mem>>) src(%arg3 : memref<64xi32, #tpu.memory_space<hbm>>) dst(%dma_wait3A_817 : memref<64xi32, #tpu.memory_space<vmem>>)
      tpu.yield
    }) : () -> ()
    %add3A_1 = arith.constant 64 : i32
    %add3A_2 = arith.addi %add3A_1, %add3A : i32
    %get3A = arith.index_cast %add3A_2 : i32 to index
    %get3A_3 = tpu.vector_load %arg8[%get3A] {strides = array<i32>} : memref<144xi32, #tpu.memory_space<vmem>>, vector<16xi32>,
    %get3A_4 = vector.shape_cast %get3A_3 : vector<16xi32> to vector<16xi32>
    %slice3A = vector.extract_strided_slice %get3A_4 {offsets = [0], sizes = [1], strides = [1]} : vector<16xi32> to vector<1xi32>
    %squeeze3A = vector.extract %slice3A[0] : i32 from vector<1xi32>
    %sub3A = arith.constant 127 : i32
    %sub3A_5 = arith.subi %sub3A, %add3A : i32
    %get3A_6 = arith.index_cast %sub3A_5 : i32 to index
    %get3A_7 = tpu.vector_load %arg8[%get3A_6] {strides = array<i32>} : memref<144xi32, #tpu.memory_space<vmem>>, vector<16xi32>,
    %get3A_8 = vector.shape_cast %get3A_7 : vector<16xi32> to vector<16xi32>
    %slice3A_9 = vector.extract_strided_slice %get3A_8 {offsets = [0], sizes = [1], strides = [1]} : vector<16xi32> to vector<1xi32>
    %squeeze3A_10 = vector.extract %slice3A_9[0] : i32 from vector<1xi32>
    %dma_start3A = arith.constant 0 : i32
    %dma_start3A_11 = tpu.memref_slice %arg6[%dma_start3A] : memref<8224xi32, #tpu.memory_space<vmem>> -> memref<8192xi32, #tpu.memory_space<vmem>>
    %dma_start3A_12 = arith.constant 0 : i32
    %dma_start3A_13 = tpu.memref_slice %arg4[%squeeze3A, %dma_start3A_12] : memref<64x8192xi32, #tpu.memory_space<hbm>> -> memref<1x8192xi32, #tpu.memory_space<hbm>>
    %dma_start3A_14 = tpu.memref_squeeze %dma_start3A_13 : memref<1x8192xi32, #tpu.memory_space<hbm>> -> memref<8192xi32, #tpu.memory_space<hbm>>
    %dma_start3A_15 = arith.constant 0 : i32
    %dma_start3A_16 = tpu.memref_slice %arg6[%dma_start3A_15] : memref<8224xi32, #tpu.memory_space<vmem>> -> memref<8192xi32, #tpu.memory_space<vmem>>
    %dma_start3A_17 = arith.constant 0 : i32
    %dma_start3A_18 = tpu.memref_slice %arg4[%squeeze3A, %dma_start3A_17] : memref<64x8192xi32, #tpu.memory_space<hbm>> -> memref<1x8192xi32, #tpu.memory_space<hbm>>
    %dma_start3A_19 = tpu.memref_squeeze %dma_start3A_18 : memref<1x8192xi32, #tpu.memory_space<hbm>> -> memref<8192xi32, #tpu.memory_space<hbm>>
    tpu.enqueue_dma source(%dma_start3A_19 : memref<8192xi32, #tpu.memory_space<hbm>>) target(%dma_start3A_16 : memref<8192xi32, #tpu.memory_space<vmem>>) target_semaphore(%arg12 : memref<!tpu.dma_semaphore, #tpu.memory_space<semaphore_mem>>)
    %dma_start3A_20 = arith.constant 0 : i32
    %dma_start3A_21 = tpu.memref_slice %arg7[%dma_start3A_20] : memref<8224xi32, #tpu.memory_space<vmem>> -> memref<8192xi32, #tpu.memory_space<vmem>>
    %dma_start3A_22 = arith.constant 0 : i32
    %dma_start3A_23 = tpu.memref_slice %arg4[%squeeze3A_10, %dma_start3A_22] : memref<64x8192xi32, #tpu.memory_space<hbm>> -> memref<1x8192xi32, #tpu.memory_space<hbm>>
    %dma_start3A_24 = tpu.memref_squeeze %dma_start3A_23 : memref<1x8192xi32, #tpu.memory_space<hbm>> -> memref<8192xi32, #tpu.memory_space<hbm>>
    %dma_start3A_25 = arith.constant 0 : i32
    %dma_start3A_26 = tpu.memref_slice %arg7[%dma_start3A_25] : memref<8224xi32, #tpu.memory_space<vmem>> -> memref<8192xi32, #tpu.memory_space<vmem>>
    %dma_start3A_27 = arith.constant 0 : i32
    %dma_start3A_28 = tpu.memref_slice %arg4[%squeeze3A_10, %dma_start3A_27] : memref<64x8192xi32, #tpu.memory_space<hbm>> -> memref<1x8192xi32, #tpu.memory_space<hbm>>
    %dma_start3A_29 = tpu.memref_squeeze %dma_start3A_28 : memref<1x8192xi32, #tpu.memory_space<hbm>> -> memref<8192xi32, #tpu.memory_space<hbm>>
    tpu.enqueue_dma source(%dma_start3A_29 : memref<8192xi32, #tpu.memory_space<hbm>>) target(%dma_start3A_26 : memref<8192xi32, #tpu.memory_space<vmem>>) target_semaphore(%arg13 : memref<!tpu.dma_semaphore, #tpu.memory_space<semaphore_mem>>)
    "tpu.region"() ({
      %run_scoped3A = tpu.sem_alloc : memref<!tpu.dma_semaphore, #tpu.memory_space<semaphore_mem>>
      %dma_start3A_810 = arith.constant 0 : i32
      %dma_start3A_811 = tpu.memref_slice %arg8[%dma_start3A_810] : memref<144xi32, #tpu.memory_space<vmem>> -> memref<64xi32, #tpu.memory_space<vmem>>
      %dma_start3A_812 = arith.constant 0 : i32
      %dma_start3A_813 = tpu.memref_slice %arg8[%dma_start3A_812] : memref<144xi32, #tpu.memory_space<vmem>> -> memref<64xi32, #tpu.memory_space<vmem>>
      tpu.enqueue_dma source(%arg2 : memref<64xi32, #tpu.memory_space<hbm>>) target(%dma_start3A_813 : memref<64xi32, #tpu.memory_space<vmem>>) target_semaphore(%run_scoped3A : memref<!tpu.dma_semaphore, #tpu.memory_space<semaphore_mem>>)
      %dma_wait3A_814 = arith.constant 0 : i32
      %dma_wait3A_815 = tpu.memref_slice %arg8[%dma_wait3A_814] : memref<144xi32, #tpu.memory_space<vmem>> -> memref<64xi32, #tpu.memory_space<vmem>>
      %dma_wait3A_816 = arith.constant 0 : i32
      %dma_wait3A_817 = tpu.memref_slice %arg8[%dma_wait3A_816] : memref<144xi32, #tpu.memory_space<vmem>> -> memref<64xi32, #tpu.memory_space<vmem>>
      tpu.wait_dma2 semaphore(%run_scoped3A : memref<!tpu.dma_semaphore, #tpu.memory_space<semaphore_mem>>) src(%arg2 : memref<64xi32, #tpu.memory_space<hbm>>) dst(%dma_wait3A_817 : memref<64xi32, #tpu.memory_space<vmem>>)
      tpu.yield
    }) : () -> ()
    %broadcast_in_dim3A = arith.constant 0 : i32
    %broadcast_in_dim3A_30 = vector.broadcast %broadcast_in_dim3A : i32 to vector<16xi32>
    %swap3A = arith.constant 8192 : index
    %swap3A_31 = tpu.vector_load %arg6[%swap3A] {strides = array<i32>} : memref<8224xi32, #tpu.memory_space<vmem>>, vector<16xi32>,
    %swap3A_32 = vector.shape_cast %swap3A_31 : vector<16xi32> to vector<16xi32>
    %swap3A_33 = vector.shape_cast %broadcast_in_dim3A_30 : vector<16xi32> to vector<16xi32>
    tpu.vector_store %arg6[%swap3A], %swap3A_33 {strides = array<i32>} : memref<8224xi32, #tpu.memory_space<vmem>>, vector<16xi32>,
    %swap3A_34 = arith.constant 8208 : index
    %swap3A_35 = tpu.vector_load %arg6[%swap3A_34] {strides = array<i32>} : memref<8224xi32, #tpu.memory_space<vmem>>, vector<16xi32>,
    %swap3A_36 = vector.shape_cast %swap3A_35 : vector<16xi32> to vector<16xi32>
    %swap3A_37 = vector.shape_cast %broadcast_in_dim3A_30 : vector<16xi32> to vector<16xi32>
    tpu.vector_store %arg6[%swap3A_34], %swap3A_37 {strides = array<i32>} : memref<8224xi32, #tpu.memory_space<vmem>>, vector<16xi32>,
    %swap3A_38 = arith.constant 8192 : index
    %swap3A_39 = tpu.vector_load %arg7[%swap3A_38] {strides = array<i32>} : memref<8224xi32, #tpu.memory_space<vmem>>, vector<16xi32>,
    %swap3A_40 = vector.shape_cast %swap3A_39 : vector<16xi32> to vector<16xi32>
    %swap3A_41 = vector.shape_cast %broadcast_in_dim3A_30 : vector<16xi32> to vector<16xi32>
    tpu.vector_store %arg7[%swap3A_38], %swap3A_41 {strides = array<i32>} : memref<8224xi32, #tpu.memory_space<vmem>>, vector<16xi32>,
    %swap3A_42 = arith.constant 8208 : index
    %swap3A_43 = tpu.vector_load %arg7[%swap3A_42] {strides = array<i32>} : memref<8224xi32, #tpu.memory_space<vmem>>, vector<16xi32>,
    %swap3A_44 = vector.shape_cast %swap3A_43 : vector<16xi32> to vector<16xi32>
    %swap3A_45 = vector.shape_cast %broadcast_in_dim3A_30 : vector<16xi32> to vector<16xi32>
    tpu.vector_store %arg7[%swap3A_42], %swap3A_45 {strides = array<i32>} : memref<8224xi32, #tpu.memory_space<vmem>>, vector<16xi32>,
    %dma_wait3A = arith.constant 0 : i32
    %dma_wait3A_46 = tpu.memref_slice %arg6[%dma_wait3A] : memref<8224xi32, #tpu.memory_space<vmem>> -> memref<8192xi32, #tpu.memory_space<vmem>>
    %dma_wait3A_47 = arith.constant 0 : i32
    %dma_wait3A_48 = tpu.memref_slice %arg4[%squeeze3A, %dma_wait3A_47] : memref<64x8192xi32, #tpu.memory_space<hbm>> -> memref<1x8192xi32, #tpu.memory_space<hbm>>
    %dma_wait3A_49 = tpu.memref_squeeze %dma_wait3A_48 : memref<1x8192xi32, #tpu.memory_space<hbm>> -> memref<8192xi32, #tpu.memory_space<hbm>>
    %dma_wait3A_50 = arith.constant 0 : i32
    %dma_wait3A_51 = tpu.memref_slice %arg6[%dma_wait3A_50] : memref<8224xi32, #tpu.memory_space<vmem>> -> memref<8192xi32, #tpu.memory_space<vmem>>
    %dma_wait3A_52 = arith.constant 0 : i32
    %dma_wait3A_53 = tpu.memref_slice %arg4[%squeeze3A, %dma_wait3A_52] : memref<64x8192xi32, #tpu.memory_space<hbm>> -> memref<1x8192xi32, #tpu.memory_space<hbm>>
    %dma_wait3A_54 = tpu.memref_squeeze %dma_wait3A_53 : memref<1x8192xi32, #tpu.memory_space<hbm>> -> memref<8192xi32, #tpu.memory_space<hbm>>
    tpu.wait_dma2 semaphore(%arg12 : memref<!tpu.dma_semaphore, #tpu.memory_space<semaphore_mem>>) src(%dma_wait3A_54 : memref<8192xi32, #tpu.memory_space<hbm>>) dst(%dma_wait3A_51 : memref<8192xi32, #tpu.memory_space<vmem>>)
    %get3A_55 = arith.index_cast %squeeze3A : i32 to index
    %get3A_56 = tpu.vector_load %arg8[%get3A_55] {strides = array<i32>} : memref<144xi32, #tpu.memory_space<vmem>>, vector<16xi32>,
    %get3A_57 = vector.shape_cast %get3A_56 : vector<16xi32> to vector<16xi32>
    %slice3A_58 = vector.extract_strided_slice %get3A_57 {offsets = [0], sizes = [1], strides = [1]} : vector<16xi32> to vector<1xi32>
    %squeeze3A_59 = vector.extract %slice3A_58[0] : i32 from vector<1xi32>
    %iota3A = tpu.iota {dimensions = array<i32: 0>} : vector<16xi32>
    %broadcast_in_dim3A_60 = arith.constant 1 : i32
    %broadcast_in_dim3A_61 = vector.broadcast %broadcast_in_dim3A_60 : i32 to vector<16xi32>
    %broadcast_in_dim3A_62 = arith.constant 0 : i32
    %broadcast_in_dim3A_63 = vector.broadcast %broadcast_in_dim3A_62 : i32 to vector<16xi32>
    %sub3A_64 = arith.constant 5 : i32
    %sub3A_65 = arith.subi %squeeze3A_59, %sub3A_64 : i32
    %get3A_66 = arith.index_cast %sub3A_65 : i32 to index
    %get3A_67 = tpu.vector_load %arg6[%get3A_66] {strides = array<i32>} : memref<8224xi32, #tpu.memory_space<vmem>>, vector<16xi32>,
    %get3A_68 = vector.shape_cast %get3A_67 : vector<16xi32> to vector<16xi32>
    %slice3A_69 = vector.extract_strided_slice %get3A_68 {offsets = [0], sizes = [1], strides = [1]} : vector<16xi32> to vector<1xi32>
    %squeeze3A_70 = vector.extract %slice3A_69[0] : i32 from vector<1xi32>
    %broadcast_in_dim3A_71 = vector.broadcast %squeeze3A_70 : i32 to vector<16xi32>
    %slice3A_72 = vector.extract_strided_slice %get3A_68 {offsets = [1], sizes = [1], strides = [1]} : vector<16xi32> to vector<1xi32>
    %squeeze3A_73 = vector.extract %slice3A_72[0] : i32 from vector<1xi32>
    %broadcast_in_dim3A_74 = vector.broadcast %squeeze3A_73 : i32 to vector<16xi32>
    %slice3A_75 = vector.extract_strided_slice %get3A_68 {offsets = [2], sizes = [1], strides = [1]} : vector<16xi32> to vector<1xi32>
    %squeeze3A_76 = vector.extract %slice3A_75[0] : i32 from vector<1xi32>
    %broadcast_in_dim3A_77 = vector.broadcast %squeeze3A_76 : i32 to vector<16xi32>
    %slice3A_78 = vector.extract_strided_slice %get3A_68 {offsets = [3], sizes = [1], strides = [1]} : vector<16xi32> to vector<1xi32>
    %squeeze3A_79 = vector.extract %slice3A_78[0] : i32 from vector<1xi32>
    %broadcast_in_dim3A_80 = vector.broadcast %squeeze3A_79 : i32 to vector<16xi32>
    %slice3A_81 = vector.extract_strided_slice %get3A_68 {offsets = [4], sizes = [1], strides = [1]} : vector<16xi32> to vector<1xi32>
    %squeeze3A_82 = vector.extract %slice3A_81[0] : i32 from vector<1xi32>
    %broadcast_in_dim3A_83 = vector.broadcast %squeeze3A_82 : i32 to vector<16xi32>
    %broadcast_in_dim3A_84 = arith.constant 134217728 : i32
    %broadcast_in_dim3A_85 = vector.broadcast %broadcast_in_dim3A_84 : i32 to vector<16xi32>
    %add3A_86 = arith.constant 13 : i32
    %add3A_87 = arith.addi %squeeze3A_59, %add3A_86 : i32
    %jit3A = arith.constant 16 : i32
    %div3A = arith.divsi %add3A_87, %jit3A : i32
    %sign3A = arith.constant 0 : i32
    %sign3A_88 = arith.cmpi sgt, %add3A_87, %sign3A : i32
    %sign3A_89 = arith.extui %sign3A_88 : i1 to i32
    %sign3A_90 = arith.constant 0 : i32
    %sign3A_91 = arith.cmpi slt, %add3A_87, %sign3A_90 : i32
    %sign3A_92 = arith.extui %sign3A_91 : i1 to i32
    %sign3A_93 = arith.subi %sign3A_89, %sign3A_92 : i32
    %sign3A_94 = arith.constant 0 : i32
    %sign3A_95 = arith.cmpi sgt, %jit3A, %sign3A_94 : i32
    %sign3A_96 = arith.extui %sign3A_95 : i1 to i32
    %sign3A_97 = arith.constant 0 : i32
    %sign3A_98 = arith.cmpi slt, %jit3A, %sign3A_97 : i32
    %sign3A_99 = arith.extui %sign3A_98 : i1 to i32
    %sign3A_100 = arith.subi %sign3A_96, %sign3A_99 : i32
    %ne3A = arith.cmpi ne, %sign3A_93, %sign3A_100 : i32
    %rem3A = arith.remsi %add3A_87, %jit3A : i32
    %ne3A_101 = arith.constant 0 : i32
    %ne3A_102 = arith.cmpi ne, %rem3A, %ne3A_101 : i32
    %and3A = arith.andi %ne3A, %ne3A_102 : i1
    %sub3A_103 = arith.constant 1 : i32
    %sub3A_104 = arith.subi %div3A, %sub3A_103 : i32
    %select_n3A = arith.select %and3A, %sub3A_104, %div3A : i32
    %mul3A_105 = arith.constant 16 : i32
    %mul3A_106 = arith.muli %select_n3A, %mul3A_105 : i32
    %parallel_loop3A = arith.constant 0 : i32
    %parallel_loop3A_107 = arith.constant 16 : i32
    %parallel_loop3A_108 = scf.for %parallel_loop3A_810 = %parallel_loop3A to %mul3A_106 step %parallel_loop3A_107 iter_args(%parallel_loop3A_811 = %broadcast_in_dim3A_85) -> (vector<16xi32>)  : i32 {
      %parallel_loop3A_812 = arith.index_cast %parallel_loop3A_810 : i32 to index
      %parallel_loop3A_813 = tpu.vector_load %arg6[%parallel_loop3A_812] {strides = array<i32>} : memref<8224xi32, #tpu.memory_space<vmem>>, vector<16xi32>,
      %parallel_loop3A_814 = vector.shape_cast %parallel_loop3A_813 : vector<16xi32> to vector<16xi32>
      %parallel_loop3A_815 = arith.constant 1 : i32
      %parallel_loop3A_816 = arith.addi %parallel_loop3A_810, %parallel_loop3A_815 : i32
      %parallel_loop3A_817 = arith.index_cast %parallel_loop3A_816 : i32 to index
      %parallel_loop3A_818 = tpu.vector_load %arg6[%parallel_loop3A_817] {strides = array<i32>} : memref<8224xi32, #tpu.memory_space<vmem>>, vector<16xi32>,
      %parallel_loop3A_819 = vector.shape_cast %parallel_loop3A_818 : vector<16xi32> to vector<16xi32>
      %parallel_loop3A_820 = arith.xori %parallel_loop3A_814, %broadcast_in_dim3A_80 : vector<16xi32>
      %parallel_loop3A_821 = arith.xori %parallel_loop3A_819, %broadcast_in_dim3A_83 : vector<16xi32>
      %parallel_loop3A_822 = arith.ori %parallel_loop3A_820, %parallel_loop3A_821 : vector<16xi32>
      %parallel_loop3A_823 = vector.broadcast %parallel_loop3A_810 : i32 to vector<16xi32>
      %parallel_loop3A_824 = arith.addi %parallel_loop3A_823, %iota3A : vector<16xi32>
      %parallel_loop3A_825 = arith.minsi %parallel_loop3A_822, %broadcast_in_dim3A_61 : vector<16xi32>
      %parallel_loop3A_826 = arith.constant 27 : i32
      %parallel_loop3A_827 = vector.broadcast %parallel_loop3A_826 : i32 to vector<16xi32>
      %parallel_loop3A_828 = arith.shli %parallel_loop3A_825, %parallel_loop3A_827 : vector<16xi32>
      %parallel_loop3A_829 = arith.addi %parallel_loop3A_824, %parallel_loop3A_828 : vector<16xi32>
      %parallel_loop3A_830 = arith.minsi %parallel_loop3A_811, %parallel_loop3A_829 : vector<16xi32>
      scf.yield %parallel_loop3A_830 : vector<16xi32>
    } {sc.loop_unroll_factor = 16 : i64, sc.parallel_access}
    %swap3A_109 = arith.constant 16 : index
    %swap3A_110 = tpu.vector_load %arg11[%swap3A_109] {strides = array<i32>} : memref<32xi32, #tpu.memory_space<vmem>>, vector<16xi32>,
    %swap3A_111 = vector.shape_cast %swap3A_110 : vector<16xi32> to vector<16xi32>
    %swap3A_112 = vector.shape_cast %broadcast_in_dim3A_85 : vector<16xi32> to vector<16xi32>
    tpu.vector_store %arg11[%swap3A_109], %swap3A_112 {strides = array<i32>} : memref<32xi32, #tpu.memory_space<vmem>>, vector<16xi32>,
    %swap3A_113 = arith.constant 0 : index
    %swap3A_114 = tpu.vector_load %arg11[%swap3A_113] {strides = array<i32>} : memref<32xi32, #tpu.memory_space<vmem>>, vector<16xi32>,
    %swap3A_115 = vector.shape_cast %swap3A_114 : vector<16xi32> to vector<16xi32>
    %swap3A_116 = vector.shape_cast %parallel_loop3A_108 : vector<16xi32> to vector<16xi32>
    tpu.vector_store %arg11[%swap3A_113], %swap3A_116 {strides = array<i32>} : memref<32xi32, #tpu.memory_space<vmem>>, vector<16xi32>,
    %get3A_117 = arith.constant 0 : index
    %get3A_118 = tpu.vector_load %arg11[%get3A_117] {strides = array<i32>} : memref<32xi32, #tpu.memory_space<vmem>>, vector<16xi32>,
    %get3A_119 = vector.shape_cast %get3A_118 : vector<16xi32> to vector<16xi32>
    %get3A_120 = arith.constant 8 : index
    %get3A_121 = tpu.vector_load %arg11[%get3A_120] {strides = array<i32>} : memref<32xi32, #tpu.memory_space<vmem>>, vector<16xi32>,
    %get3A_122 = vector.shape_cast %get3A_121 : vector<16xi32> to vector<16xi32>
    %min3A = arith.minsi %get3A_119, %get3A_122 : vector<16xi32>
    %swap3A_123 = arith.constant 0 : index
    %swap3A_124 = tpu.vector_load %arg11[%swap3A_123] {strides = array<i32>} : memref<32xi32, #tpu.memory_space<vmem>>, vector<16xi32>,
    %swap3A_125 = vector.shape_cast %swap3A_124 : vector<16xi32> to vector<16xi32>
    %swap3A_126 = vector.shape_cast %min3A : vector<16xi32> to vector<16xi32>
    tpu.vector_store %arg11[%swap3A_123], %swap3A_126 {strides = array<i32>} : memref<32xi32, #tpu.memory_space<vmem>>, vector<16xi32>,
    %get3A_127 = arith.constant 0 : index
    %get3A_128 = tpu.vector_load %arg11[%get3A_127] {strides = array<i32>} : memref<32xi32, #tpu.memory_space<vmem>>, vector<16xi32>,
    %get3A_129 = vector.shape_cast %get3A_128 : vector<16xi32> to vector<16xi32>
    %get3A_130 = arith.constant 4 : index
    %get3A_131 = tpu.vector_load %arg11[%get3A_130] {strides = array<i32>} : memref<32xi32, #tpu.memory_space<vmem>>, vector<16xi32>,
    %get3A_132 = vector.shape_cast %get3A_131 : vector<16xi32> to vector<16xi32>
    %min3A_133 = arith.minsi %get3A_129, %get3A_132 : vector<16xi32>
    %swap3A_134 = arith.constant 0 : index
    %swap3A_135 = tpu.vector_load %arg11[%swap3A_134] {strides = array<i32>} : memref<32xi32, #tpu.memory_space<vmem>>, vector<16xi32>,
    %swap3A_136 = vector.shape_cast %swap3A_135 : vector<16xi32> to vector<16xi32>
    %swap3A_137 = vector.shape_cast %min3A_133 : vector<16xi32> to vector<16xi32>
    tpu.vector_store %arg11[%swap3A_134], %swap3A_137 {strides = array<i32>} : memref<32xi32, #tpu.memory_space<vmem>>, vector<16xi32>,
    %get3A_138 = arith.constant 0 : index
    %get3A_139 = tpu.vector_load %arg11[%get3A_138] {strides = array<i32>} : memref<32xi32, #tpu.memory_space<vmem>>, vector<16xi32>,
    %get3A_140 = vector.shape_cast %get3A_139 : vector<16xi32> to vector<16xi32>
    %get3A_141 = arith.constant 2 : index
    %get3A_142 = tpu.vector_load %arg11[%get3A_141] {strides = array<i32>} : memref<32xi32, #tpu.memory_space<vmem>>, vector<16xi32>,
    %get3A_143 = vector.shape_cast %get3A_142 : vector<16xi32> to vector<16xi32>
    %min3A_144 = arith.minsi %get3A_140, %get3A_143 : vector<16xi32>
    %swap3A_145 = arith.constant 0 : index
    %swap3A_146 = tpu.vector_load %arg11[%swap3A_145] {strides = array<i32>} : memref<32xi32, #tpu.memory_space<vmem>>, vector<16xi32>,
    %swap3A_147 = vector.shape_cast %swap3A_146 : vector<16xi32> to vector<16xi32>
    %swap3A_148 = vector.shape_cast %min3A_144 : vector<16xi32> to vector<16xi32>
    tpu.vector_store %arg11[%swap3A_145], %swap3A_148 {strides = array<i32>} : memref<32xi32, #tpu.memory_space<vmem>>, vector<16xi32>,
    %get3A_149 = arith.constant 0 : index
    %get3A_150 = tpu.vector_load %arg11[%get3A_149] {strides = array<i32>} : memref<32xi32, #tpu.memory_space<vmem>>, vector<16xi32>,
    %get3A_151 = vector.shape_cast %get3A_150 : vector<16xi32> to vector<16xi32>
    %get3A_152 = arith.constant 1 : index
    %get3A_153 = tpu.vector_load %arg11[%get3A_152] {strides = array<i32>} : memref<32xi32, #tpu.memory_space<vmem>>, vector<16xi32>,
    %get3A_154 = vector.shape_cast %get3A_153 : vector<16xi32> to vector<16xi32>
    %min3A_155 = arith.minsi %get3A_151, %get3A_154 : vector<16xi32>
    %swap3A_156 = arith.constant 0 : index
    %swap3A_157 = tpu.vector_load %arg11[%swap3A_156] {strides = array<i32>} : memref<32xi32, #tpu.memory_space<vmem>>, vector<16xi32>,
    %swap3A_158 = vector.shape_cast %swap3A_157 : vector<16xi32> to vector<16xi32>
    %swap3A_159 = vector.shape_cast %min3A_155 : vector<16xi32> to vector<16xi32>
    tpu.vector_store %arg11[%swap3A_156], %swap3A_159 {strides = array<i32>} : memref<32xi32, #tpu.memory_space<vmem>>, vector<16xi32>,
    %get3A_160 = arith.constant 0 : index
    %get3A_161 = tpu.vector_load %arg11[%get3A_160] {strides = array<i32>} : memref<32xi32, #tpu.memory_space<vmem>>, vector<16xi32>,
    %get3A_162 = vector.shape_cast %get3A_161 : vector<16xi32> to vector<16xi32>
    %slice3A_163 = vector.extract_strided_slice %get3A_162 {offsets = [0], sizes = [1], strides = [1]} : vector<16xi32> to vector<1xi32>
    %squeeze3A_164 = vector.extract %slice3A_163[0] : i32 from vector<1xi32>
    %sub3A_165 = arith.constant 3 : i32
    %sub3A_166 = arith.subi %squeeze3A_164, %sub3A_165 : i32
    %max3A = arith.constant 0 : i32
    %max3A_167 = arith.maxsi %sub3A_166, %max3A : i32
    %parallel_loop3A_168 = arith.constant 16 : i32
    %parallel_loop3A_169:3 = scf.for %parallel_loop3A_810 = %max3A_167 to %mul3A_106 step %parallel_loop3A_168 iter_args(%parallel_loop3A_811 = %broadcast_in_dim3A_85, %parallel_loop3A_812 = %broadcast_in_dim3A_85, %parallel_loop3A_813 = %broadcast_in_dim3A_85) -> (vector<16xi32>, vector<16xi32>, vector<16xi32>)  : i32 {
      %parallel_loop3A_814 = arith.index_cast %parallel_loop3A_810 : i32 to index
      %parallel_loop3A_815 = tpu.vector_load %arg6[%parallel_loop3A_814] {strides = array<i32>} : memref<8224xi32, #tpu.memory_space<vmem>>, vector<16xi32>,
      %parallel_loop3A_816 = vector.shape_cast %parallel_loop3A_815 : vector<16xi32> to vector<16xi32>
      %parallel_loop3A_817 = arith.constant 1 : i32
      %parallel_loop3A_818 = arith.addi %parallel_loop3A_810, %parallel_loop3A_817 : i32
      %parallel_loop3A_819 = arith.index_cast %parallel_loop3A_818 : i32 to index
      %parallel_loop3A_820 = tpu.vector_load %arg6[%parallel_loop3A_819] {strides = array<i32>} : memref<8224xi32, #tpu.memory_space<vmem>>, vector<16xi32>,
      %parallel_loop3A_821 = vector.shape_cast %parallel_loop3A_820 : vector<16xi32> to vector<16xi32>
      %parallel_loop3A_822 = arith.constant 2 : i32
      %parallel_loop3A_823 = arith.addi %parallel_loop3A_810, %parallel_loop3A_822 : i32
      %parallel_loop3A_824 = arith.index_cast %parallel_loop3A_823 : i32 to index
      %parallel_loop3A_825 = tpu.vector_load %arg6[%parallel_loop3A_824] {strides = array<i32>} : memref<8224xi32, #tpu.memory_space<vmem>>, vector<16xi32>,
      %parallel_loop3A_826 = vector.shape_cast %parallel_loop3A_825 : vector<16xi32> to vector<16xi32>
      %parallel_loop3A_827 = arith.constant 3 : i32
      %parallel_loop3A_828 = arith.addi %parallel_loop3A_810, %parallel_loop3A_827 : i32
      %parallel_loop3A_829 = arith.index_cast %parallel_loop3A_828 : i32 to index
      %parallel_loop3A_830 = tpu.vector_load %arg6[%parallel_loop3A_829] {strides = array<i32>} : memref<8224xi32, #tpu.memory_space<vmem>>, vector<16xi32>,
      %parallel_loop3A_831 = vector.shape_cast %parallel_loop3A_830 : vector<16xi32> to vector<16xi32>
      %parallel_loop3A_832 = arith.constant 4 : i32
      %parallel_loop3A_833 = arith.addi %parallel_loop3A_810, %parallel_loop3A_832 : i32
      %parallel_loop3A_834 = arith.index_cast %parallel_loop3A_833 : i32 to index
      %parallel_loop3A_835 = tpu.vector_load %arg6[%parallel_loop3A_834] {strides = array<i32>} : memref<8224xi32, #tpu.memory_space<vmem>>, vector<16xi32>,
      %parallel_loop3A_836 = vector.shape_cast %parallel_loop3A_835 : vector<16xi32> to vector<16xi32>
      %parallel_loop3A_837 = arith.xori %parallel_loop3A_821, %broadcast_in_dim3A_80 : vector<16xi32>
      %parallel_loop3A_838 = arith.xori %parallel_loop3A_826, %broadcast_in_dim3A_83 : vector<16xi32>
      %parallel_loop3A_839 = arith.xori %parallel_loop3A_816, %broadcast_in_dim3A_77 : vector<16xi32>
      %parallel_loop3A_840 = arith.ori %parallel_loop3A_837, %parallel_loop3A_838 : vector<16xi32>
      %parallel_loop3A_841 = arith.ori %parallel_loop3A_839, %parallel_loop3A_840 : vector<16xi32>
      %parallel_loop3A_842 = arith.xori %parallel_loop3A_826, %broadcast_in_dim3A_80 : vector<16xi32>
      %parallel_loop3A_843 = arith.xori %parallel_loop3A_831, %broadcast_in_dim3A_83 : vector<16xi32>
      %parallel_loop3A_844 = arith.xori %parallel_loop3A_816, %broadcast_in_dim3A_74 : vector<16xi32>
      %parallel_loop3A_845 = arith.xori %parallel_loop3A_821, %broadcast_in_dim3A_77 : vector<16xi32>
      %parallel_loop3A_846 = arith.ori %parallel_loop3A_844, %parallel_loop3A_845 : vector<16xi32>
      %parallel_loop3A_847 = arith.ori %parallel_loop3A_842, %parallel_loop3A_843 : vector<16xi32>
      %parallel_loop3A_848 = arith.ori %parallel_loop3A_846, %parallel_loop3A_847 : vector<16xi32>
      %parallel_loop3A_849 = arith.xori %parallel_loop3A_816, %broadcast_in_dim3A_71 : vector<16xi32>
      %parallel_loop3A_850 = arith.xori %parallel_loop3A_821, %broadcast_in_dim3A_74 : vector<16xi32>
      %parallel_loop3A_851 = arith.ori %parallel_loop3A_849, %parallel_loop3A_850 : vector<16xi32>
      %parallel_loop3A_852 = arith.xori %parallel_loop3A_826, %broadcast_in_dim3A_77 : vector<16xi32>
      %parallel_loop3A_853 = arith.xori %parallel_loop3A_831, %broadcast_in_dim3A_80 : vector<16xi32>
      %parallel_loop3A_854 = arith.ori %parallel_loop3A_852, %parallel_loop3A_853 : vector<16xi32>
      %parallel_loop3A_855 = arith.ori %parallel_loop3A_851, %parallel_loop3A_854 : vector<16xi32>
      %parallel_loop3A_856 = arith.xori %parallel_loop3A_836, %broadcast_in_dim3A_83 : vector<16xi32>
      %parallel_loop3A_857 = arith.ori %parallel_loop3A_855, %parallel_loop3A_856 : vector<16xi32>
      %parallel_loop3A_858 = vector.broadcast %parallel_loop3A_810 : i32 to vector<16xi32>
      %parallel_loop3A_859 = arith.addi %parallel_loop3A_858, %iota3A : vector<16xi32>
      %parallel_loop3A_860 = arith.minsi %parallel_loop3A_841, %broadcast_in_dim3A_61 : vector<16xi32>
      %parallel_loop3A_861 = arith.constant 27 : i32
      %parallel_loop3A_862 = vector.broadcast %parallel_loop3A_861 : i32 to vector<16xi32>
      %parallel_loop3A_863 = arith.shli %parallel_loop3A_860, %parallel_loop3A_862 : vector<16xi32>
      %parallel_loop3A_864 = arith.addi %parallel_loop3A_859, %parallel_loop3A_863 : vector<16xi32>
      %parallel_loop3A_865 = arith.minsi %parallel_loop3A_811, %parallel_loop3A_864 : vector<16xi32>
      %parallel_loop3A_866 = arith.minsi %parallel_loop3A_848, %broadcast_in_dim3A_61 : vector<16xi32>
      %parallel_loop3A_867 = arith.constant 27 : i32
      %parallel_loop3A_868 = vector.broadcast %parallel_loop3A_867 : i32 to vector<16xi32>
      %parallel_loop3A_869 = arith.shli %parallel_loop3A_866, %parallel_loop3A_868 : vector<16xi32>
      %parallel_loop3A_870 = arith.addi %parallel_loop3A_859, %parallel_loop3A_869 : vector<16xi32>
      %parallel_loop3A_871 = arith.minsi %parallel_loop3A_812, %parallel_loop3A_870 : vector<16xi32>
      %parallel_loop3A_872 = arith.minsi %parallel_loop3A_857, %broadcast_in_dim3A_61 : vector<16xi32>
      %parallel_loop3A_873 = arith.constant 27 : i32
      %parallel_loop3A_874 = vector.broadcast %parallel_loop3A_873 : i32 to vector<16xi32>
      %parallel_loop3A_875 = arith.shli %parallel_loop3A_872, %parallel_loop3A_874 : vector<16xi32>
      %parallel_loop3A_876 = arith.addi %parallel_loop3A_859, %parallel_loop3A_875 : vector<16xi32>
      %parallel_loop3A_877 = arith.minsi %parallel_loop3A_813, %parallel_loop3A_876 : vector<16xi32>
      scf.yield %parallel_loop3A_865, %parallel_loop3A_871, %parallel_loop3A_877 : vector<16xi32>, vector<16xi32>, vector<16xi32>
    } {sc.loop_unroll_factor = 2 : i64, sc.parallel_access}
    %swap3A_170 = arith.constant 0 : index
    %swap3A_171 = tpu.vector_load %arg11[%swap3A_170] {strides = array<i32>} : memref<32xi32, #tpu.memory_space<vmem>>, vector<16xi32>,
    %swap3A_172 = vector.shape_cast %swap3A_171 : vector<16xi32> to vector<16xi32>
    %swap3A_173 = vector.shape_cast %parallel_loop3A_169#0 : vector<16xi32> to vector<16xi32>
    tpu.vector_store %arg11[%swap3A_170], %swap3A_173 {strides = array<i32>} : memref<32xi32, #tpu.memory_space<vmem>>, vector<16xi32>,
    %get3A_174 = arith.constant 0 : index
    %get3A_175 = tpu.vector_load %arg11[%get3A_174] {strides = array<i32>} : memref<32xi32, #tpu.memory_space<vmem>>, vector<16xi32>,
    %get3A_176 = vector.shape_cast %get3A_175 : vector<16xi32> to vector<16xi32>
    %get3A_177 = arith.constant 8 : index
    %get3A_178 = tpu.vector_load %arg11[%get3A_177] {strides = array<i32>} : memref<32xi32, #tpu.memory_space<vmem>>, vector<16xi32>,
    %get3A_179 = vector.shape_cast %get3A_178 : vector<16xi32> to vector<16xi32>
    %min3A_180 = arith.minsi %get3A_176, %get3A_179 : vector<16xi32>
    %swap3A_181 = arith.constant 0 : index
    %swap3A_182 = tpu.vector_load %arg11[%swap3A_181] {strides = array<i32>} : memref<32xi32, #tpu.memory_space<vmem>>, vector<16xi32>,
    %swap3A_183 = vector.shape_cast %swap3A_182 : vector<16xi32> to vector<16xi32>
    %swap3A_184 = vector.shape_cast %min3A_180 : vector<16xi32> to vector<16xi32>
    tpu.vector_store %arg11[%swap3A_181], %swap3A_184 {strides = array<i32>} : memref<32xi32, #tpu.memory_space<vmem>>, vector<16xi32>,
    %get3A_185 = arith.constant 0 : index
    %get3A_186 = tpu.vector_load %arg11[%get3A_185] {strides = array<i32>} : memref<32xi32, #tpu.memory_space<vmem>>, vector<16xi32>,
    %get3A_187 = vector.shape_cast %get3A_186 : vector<16xi32> to vector<16xi32>
    %get3A_188 = arith.constant 4 : index
    %get3A_189 = tpu.vector_load %arg11[%get3A_188] {strides = array<i32>} : memref<32xi32, #tpu.memory_space<vmem>>, vector<16xi32>,
    %get3A_190 = vector.shape_cast %get3A_189 : vector<16xi32> to vector<16xi32>
    %min3A_191 = arith.minsi %get3A_187, %get3A_190 : vector<16xi32>
    %swap3A_192 = arith.constant 0 : index
    %swap3A_193 = tpu.vector_load %arg11[%swap3A_192] {strides = array<i32>} : memref<32xi32, #tpu.memory_space<vmem>>, vector<16xi32>,
    %swap3A_194 = vector.shape_cast %swap3A_193 : vector<16xi32> to vector<16xi32>
    %swap3A_195 = vector.shape_cast %min3A_191 : vector<16xi32> to vector<16xi32>
    tpu.vector_store %arg11[%swap3A_192], %swap3A_195 {strides = array<i32>} : memref<32xi32, #tpu.memory_space<vmem>>, vector<16xi32>,
    %get3A_196 = arith.constant 0 : index
    %get3A_197 = tpu.vector_load %arg11[%get3A_196] {strides = array<i32>} : memref<32xi32, #tpu.memory_space<vmem>>, vector<16xi32>,
    %get3A_198 = vector.shape_cast %get3A_197 : vector<16xi32> to vector<16xi32>
    %get3A_199 = arith.constant 2 : index
    %get3A_200 = tpu.vector_load %arg11[%get3A_199] {strides = array<i32>} : memref<32xi32, #tpu.memory_space<vmem>>, vector<16xi32>,
    %get3A_201 = vector.shape_cast %get3A_200 : vector<16xi32> to vector<16xi32>
    %min3A_202 = arith.minsi %get3A_198, %get3A_201 : vector<16xi32>
    %swap3A_203 = arith.constant 0 : index
    %swap3A_204 = tpu.vector_load %arg11[%swap3A_203] {strides = array<i32>} : memref<32xi32, #tpu.memory_space<vmem>>, vector<16xi32>,
    %swap3A_205 = vector.shape_cast %swap3A_204 : vector<16xi32> to vector<16xi32>
    %swap3A_206 = vector.shape_cast %min3A_202 : vector<16xi32> to vector<16xi32>
    tpu.vector_store %arg11[%swap3A_203], %swap3A_206 {strides = array<i32>} : memref<32xi32, #tpu.memory_space<vmem>>, vector<16xi32>,
    %get3A_207 = arith.constant 0 : index
    %get3A_208 = tpu.vector_load %arg11[%get3A_207] {strides = array<i32>} : memref<32xi32, #tpu.memory_space<vmem>>, vector<16xi32>,
    %get3A_209 = vector.shape_cast %get3A_208 : vector<16xi32> to vector<16xi32>
    %get3A_210 = arith.constant 1 : index
    %get3A_211 = tpu.vector_load %arg11[%get3A_210] {strides = array<i32>} : memref<32xi32, #tpu.memory_space<vmem>>, vector<16xi32>,
    %get3A_212 = vector.shape_cast %get3A_211 : vector<16xi32> to vector<16xi32>
    %min3A_213 = arith.minsi %get3A_209, %get3A_212 : vector<16xi32>
    %swap3A_214 = arith.constant 0 : index
    %swap3A_215 = tpu.vector_load %arg11[%swap3A_214] {strides = array<i32>} : memref<32xi32, #tpu.memory_space<vmem>>, vector<16xi32>,
    %swap3A_216 = vector.shape_cast %swap3A_215 : vector<16xi32> to vector<16xi32>
    %swap3A_217 = vector.shape_cast %min3A_213 : vector<16xi32> to vector<16xi32>
    tpu.vector_store %arg11[%swap3A_214], %swap3A_217 {strides = array<i32>} : memref<32xi32, #tpu.memory_space<vmem>>, vector<16xi32>,
    %get3A_218 = arith.constant 0 : index
    %get3A_219 = tpu.vector_load %arg11[%get3A_218] {strides = array<i32>} : memref<32xi32, #tpu.memory_space<vmem>>, vector<16xi32>,
    %get3A_220 = vector.shape_cast %get3A_219 : vector<16xi32> to vector<16xi32>
    %slice3A_221 = vector.extract_strided_slice %get3A_220 {offsets = [0], sizes = [1], strides = [1]} : vector<16xi32> to vector<1xi32>
    %squeeze3A_222 = vector.extract %slice3A_221[0] : i32 from vector<1xi32>
    %swap3A_223 = arith.constant 0 : index
    %swap3A_224 = tpu.vector_load %arg11[%swap3A_223] {strides = array<i32>} : memref<32xi32, #tpu.memory_space<vmem>>, vector<16xi32>,
    %swap3A_225 = vector.shape_cast %swap3A_224 : vector<16xi32> to vector<16xi32>
    %swap3A_226 = vector.shape_cast %parallel_loop3A_169#1 : vector<16xi32> to vector<16xi32>
    tpu.vector_store %arg11[%swap3A_223], %swap3A_226 {strides = array<i32>} : memref<32xi32, #tpu.memory_space<vmem>>, vector<16xi32>,
    %get3A_227 = arith.constant 0 : index
    %get3A_228 = tpu.vector_load %arg11[%get3A_227] {strides = array<i32>} : memref<32xi32, #tpu.memory_space<vmem>>, vector<16xi32>,
    %get3A_229 = vector.shape_cast %get3A_228 : vector<16xi32> to vector<16xi32>
    %get3A_230 = arith.constant 8 : index
    %get3A_231 = tpu.vector_load %arg11[%get3A_230] {strides = array<i32>} : memref<32xi32, #tpu.memory_space<vmem>>, vector<16xi32>,
    %get3A_232 = vector.shape_cast %get3A_231 : vector<16xi32> to vector<16xi32>
    %min3A_233 = arith.minsi %get3A_229, %get3A_232 : vector<16xi32>
    %swap3A_234 = arith.constant 0 : index
    %swap3A_235 = tpu.vector_load %arg11[%swap3A_234] {strides = array<i32>} : memref<32xi32, #tpu.memory_space<vmem>>, vector<16xi32>,
    %swap3A_236 = vector.shape_cast %swap3A_235 : vector<16xi32> to vector<16xi32>
    %swap3A_237 = vector.shape_cast %min3A_233 : vector<16xi32> to vector<16xi32>
    tpu.vector_store %arg11[%swap3A_234], %swap3A_237 {strides = array<i32>} : memref<32xi32, #tpu.memory_space<vmem>>, vector<16xi32>,
    %get3A_238 = arith.constant 0 : index
    %get3A_239 = tpu.vector_load %arg11[%get3A_238] {strides = array<i32>} : memref<32xi32, #tpu.memory_space<vmem>>, vector<16xi32>,
    %get3A_240 = vector.shape_cast %get3A_239 : vector<16xi32> to vector<16xi32>
    %get3A_241 = arith.constant 4 : index
    %get3A_242 = tpu.vector_load %arg11[%get3A_241] {strides = array<i32>} : memref<32xi32, #tpu.memory_space<vmem>>, vector<16xi32>,
    %get3A_243 = vector.shape_cast %get3A_242 : vector<16xi32> to vector<16xi32>
    %min3A_244 = arith.minsi %get3A_240, %get3A_243 : vector<16xi32>
    %swap3A_245 = arith.constant 0 : index
    %swap3A_246 = tpu.vector_load %arg11[%swap3A_245] {strides = array<i32>} : memref<32xi32, #tpu.memory_space<vmem>>, vector<16xi32>,
    %swap3A_247 = vector.shape_cast %swap3A_246 : vector<16xi32> to vector<16xi32>
    %swap3A_248 = vector.shape_cast %min3A_244 : vector<16xi32> to vector<16xi32>
    tpu.vector_store %arg11[%swap3A_245], %swap3A_248 {strides = array<i32>} : memref<32xi32, #tpu.memory_space<vmem>>, vector<16xi32>,
    %get3A_249 = arith.constant 0 : index
    %get3A_250 = tpu.vector_load %arg11[%get3A_249] {strides = array<i32>} : memref<32xi32, #tpu.memory_space<vmem>>, vector<16xi32>,
    %get3A_251 = vector.shape_cast %get3A_250 : vector<16xi32> to vector<16xi32>
    %get3A_252 = arith.constant 2 : index
    %get3A_253 = tpu.vector_load %arg11[%get3A_252] {strides = array<i32>} : memref<32xi32, #tpu.memory_space<vmem>>, vector<16xi32>,
    %get3A_254 = vector.shape_cast %get3A_253 : vector<16xi32> to vector<16xi32>
    %min3A_255 = arith.minsi %get3A_251, %get3A_254 : vector<16xi32>
    %swap3A_256 = arith.constant 0 : index
    %swap3A_257 = tpu.vector_load %arg11[%swap3A_256] {strides = array<i32>} : memref<32xi32, #tpu.memory_space<vmem>>, vector<16xi32>,
    %swap3A_258 = vector.shape_cast %swap3A_257 : vector<16xi32> to vector<16xi32>
    %swap3A_259 = vector.shape_cast %min3A_255 : vector<16xi32> to vector<16xi32>
    tpu.vector_store %arg11[%swap3A_256], %swap3A_259 {strides = array<i32>} : memref<32xi32, #tpu.memory_space<vmem>>, vector<16xi32>,
    %get3A_260 = arith.constant 0 : index
    %get3A_261 = tpu.vector_load %arg11[%get3A_260] {strides = array<i32>} : memref<32xi32, #tpu.memory_space<vmem>>, vector<16xi32>,
    %get3A_262 = vector.shape_cast %get3A_261 : vector<16xi32> to vector<16xi32>
    %get3A_263 = arith.constant 1 : index
    %get3A_264 = tpu.vector_load %arg11[%get3A_263] {strides = array<i32>} : memref<32xi32, #tpu.memory_space<vmem>>, vector<16xi32>,
    %get3A_265 = vector.shape_cast %get3A_264 : vector<16xi32> to vector<16xi32>
    %min3A_266 = arith.minsi %get3A_262, %get3A_265 : vector<16xi32>
    %swap3A_267 = arith.constant 0 : index
    %swap3A_268 = tpu.vector_load %arg11[%swap3A_267] {strides = array<i32>} : memref<32xi32, #tpu.memory_space<vmem>>, vector<16xi32>,
    %swap3A_269 = vector.shape_cast %swap3A_268 : vector<16xi32> to vector<16xi32>
    %swap3A_270 = vector.shape_cast %min3A_266 : vector<16xi32> to vector<16xi32>
    tpu.vector_store %arg11[%swap3A_267], %swap3A_270 {strides = array<i32>} : memref<32xi32, #tpu.memory_space<vmem>>, vector<16xi32>,
    %get3A_271 = arith.constant 0 : index
    %get3A_272 = tpu.vector_load %arg11[%get3A_271] {strides = array<i32>} : memref<32xi32, #tpu.memory_space<vmem>>, vector<16xi32>,
    %get3A_273 = vector.shape_cast %get3A_272 : vector<16xi32> to vector<16xi32>
    %slice3A_274 = vector.extract_strided_slice %get3A_273 {offsets = [0], sizes = [1], strides = [1]} : vector<16xi32> to vector<1xi32>
    %squeeze3A_275 = vector.extract %slice3A_274[0] : i32 from vector<1xi32>
    %swap3A_276 = arith.constant 0 : index
    %swap3A_277 = tpu.vector_load %arg11[%swap3A_276] {strides = array<i32>} : memref<32xi32, #tpu.memory_space<vmem>>, vector<16xi32>,
    %swap3A_278 = vector.shape_cast %swap3A_277 : vector<16xi32> to vector<16xi32>
    %swap3A_279 = vector.shape_cast %parallel_loop3A_169#2 : vector<16xi32> to vector<16xi32>
    tpu.vector_store %arg11[%swap3A_276], %swap3A_279 {strides = array<i32>} : memref<32xi32, #tpu.memory_space<vmem>>, vector<16xi32>,
    %get3A_280 = arith.constant 0 : index
    %get3A_281 = tpu.vector_load %arg11[%get3A_280] {strides = array<i32>} : memref<32xi32, #tpu.memory_space<vmem>>, vector<16xi32>,
    %get3A_282 = vector.shape_cast %get3A_281 : vector<16xi32> to vector<16xi32>
    %get3A_283 = arith.constant 8 : index
    %get3A_284 = tpu.vector_load %arg11[%get3A_283] {strides = array<i32>} : memref<32xi32, #tpu.memory_space<vmem>>, vector<16xi32>,
    %get3A_285 = vector.shape_cast %get3A_284 : vector<16xi32> to vector<16xi32>
    %min3A_286 = arith.minsi %get3A_282, %get3A_285 : vector<16xi32>
    %swap3A_287 = arith.constant 0 : index
    %swap3A_288 = tpu.vector_load %arg11[%swap3A_287] {strides = array<i32>} : memref<32xi32, #tpu.memory_space<vmem>>, vector<16xi32>,
    %swap3A_289 = vector.shape_cast %swap3A_288 : vector<16xi32> to vector<16xi32>
    %swap3A_290 = vector.shape_cast %min3A_286 : vector<16xi32> to vector<16xi32>
    tpu.vector_store %arg11[%swap3A_287], %swap3A_290 {strides = array<i32>} : memref<32xi32, #tpu.memory_space<vmem>>, vector<16xi32>,
    %get3A_291 = arith.constant 0 : index
    %get3A_292 = tpu.vector_load %arg11[%get3A_291] {strides = array<i32>} : memref<32xi32, #tpu.memory_space<vmem>>, vector<16xi32>,
    %get3A_293 = vector.shape_cast %get3A_292 : vector<16xi32> to vector<16xi32>
    %get3A_294 = arith.constant 4 : index
    %get3A_295 = tpu.vector_load %arg11[%get3A_294] {strides = array<i32>} : memref<32xi32, #tpu.memory_space<vmem>>, vector<16xi32>,
    %get3A_296 = vector.shape_cast %get3A_295 : vector<16xi32> to vector<16xi32>
    %min3A_297 = arith.minsi %get3A_293, %get3A_296 : vector<16xi32>
    %swap3A_298 = arith.constant 0 : index
    %swap3A_299 = tpu.vector_load %arg11[%swap3A_298] {strides = array<i32>} : memref<32xi32, #tpu.memory_space<vmem>>, vector<16xi32>,
    %swap3A_300 = vector.shape_cast %swap3A_299 : vector<16xi32> to vector<16xi32>
    %swap3A_301 = vector.shape_cast %min3A_297 : vector<16xi32> to vector<16xi32>
    tpu.vector_store %arg11[%swap3A_298], %swap3A_301 {strides = array<i32>} : memref<32xi32, #tpu.memory_space<vmem>>, vector<16xi32>,
    %get3A_302 = arith.constant 0 : index
    %get3A_303 = tpu.vector_load %arg11[%get3A_302] {strides = array<i32>} : memref<32xi32, #tpu.memory_space<vmem>>, vector<16xi32>,
    %get3A_304 = vector.shape_cast %get3A_303 : vector<16xi32> to vector<16xi32>
    %get3A_305 = arith.constant 2 : index
    %get3A_306 = tpu.vector_load %arg11[%get3A_305] {strides = array<i32>} : memref<32xi32, #tpu.memory_space<vmem>>, vector<16xi32>,
    %get3A_307 = vector.shape_cast %get3A_306 : vector<16xi32> to vector<16xi32>
    %min3A_308 = arith.minsi %get3A_304, %get3A_307 : vector<16xi32>
    %swap3A_309 = arith.constant 0 : index
    %swap3A_310 = tpu.vector_load %arg11[%swap3A_309] {strides = array<i32>} : memref<32xi32, #tpu.memory_space<vmem>>, vector<16xi32>,
    %swap3A_311 = vector.shape_cast %swap3A_310 : vector<16xi32> to vector<16xi32>
    %swap3A_312 = vector.shape_cast %min3A_308 : vector<16xi32> to vector<16xi32>
    tpu.vector_store %arg11[%swap3A_309], %swap3A_312 {strides = array<i32>} : memref<32xi32, #tpu.memory_space<vmem>>, vector<16xi32>,
    %get3A_313 = arith.constant 0 : index
    %get3A_314 = tpu.vector_load %arg11[%get3A_313] {strides = array<i32>} : memref<32xi32, #tpu.memory_space<vmem>>, vector<16xi32>,
    %get3A_315 = vector.shape_cast %get3A_314 : vector<16xi32> to vector<16xi32>
    %get3A_316 = arith.constant 1 : index
    %get3A_317 = tpu.vector_load %arg11[%get3A_316] {strides = array<i32>} : memref<32xi32, #tpu.memory_space<vmem>>, vector<16xi32>,
    %get3A_318 = vector.shape_cast %get3A_317 : vector<16xi32> to vector<16xi32>
    %min3A_319 = arith.minsi %get3A_315, %get3A_318 : vector<16xi32>
    %swap3A_320 = arith.constant 0 : index
    %swap3A_321 = tpu.vector_load %arg11[%swap3A_320] {strides = array<i32>} : memref<32xi32, #tpu.memory_space<vmem>>, vector<16xi32>,
    %swap3A_322 = vector.shape_cast %swap3A_321 : vector<16xi32> to vector<16xi32>
    %swap3A_323 = vector.shape_cast %min3A_319 : vector<16xi32> to vector<16xi32>
    tpu.vector_store %arg11[%swap3A_320], %swap3A_323 {strides = array<i32>} : memref<32xi32, #tpu.memory_space<vmem>>, vector<16xi32>,
    %get3A_324 = arith.constant 0 : index
    %get3A_325 = tpu.vector_load %arg11[%get3A_324] {strides = array<i32>} : memref<32xi32, #tpu.memory_space<vmem>>, vector<16xi32>,
    %get3A_326 = vector.shape_cast %get3A_325 : vector<16xi32> to vector<16xi32>
    %slice3A_327 = vector.extract_strided_slice %get3A_326 {offsets = [0], sizes = [1], strides = [1]} : vector<16xi32> to vector<1xi32>
    %squeeze3A_328 = vector.extract %slice3A_327[0] : i32 from vector<1xi32>
    %sub3A_329 = arith.constant 3 : i32
    %sub3A_330 = arith.subi %squeeze3A_59, %sub3A_329 : i32
    %le3A = arith.cmpi sle, %squeeze3A_164, %sub3A_330 : i32
    %jit3A_331 = arith.constant 134217728 : i32
    %select_n3A_332 = arith.select %le3A, %squeeze3A_164, %jit3A_331 : i32
    %sub3A_333 = arith.constant 4 : i32
    %sub3A_334 = arith.subi %squeeze3A_59, %sub3A_333 : i32
    %le3A_335 = arith.cmpi sle, %squeeze3A_222, %sub3A_334 : i32
    %jit3A_336 = arith.constant 134217728 : i32
    %select_n3A_337 = arith.select %le3A_335, %squeeze3A_222, %jit3A_336 : i32
    %sub3A_338 = arith.constant 5 : i32
    %sub3A_339 = arith.subi %squeeze3A_59, %sub3A_338 : i32
    %le3A_340 = arith.cmpi sle, %squeeze3A_275, %sub3A_339 : i32
    %jit3A_341 = arith.constant 134217728 : i32
    %select_n3A_342 = arith.select %le3A_340, %squeeze3A_275, %jit3A_341 : i32
    %sub3A_343 = arith.constant 6 : i32
    %sub3A_344 = arith.subi %squeeze3A_59, %sub3A_343 : i32
    %le3A_345 = arith.cmpi sle, %squeeze3A_328, %sub3A_344 : i32
    %jit3A_346 = arith.constant 134217728 : i32
    %select_n3A_347 = arith.select %le3A_345, %squeeze3A_328, %jit3A_346 : i32
    %lt3A = arith.constant 134217728 : i32
    %lt3A_348 = arith.cmpi slt, %select_n3A_347, %lt3A : i32
    %lt3A_349 = arith.constant 134217728 : i32
    %lt3A_350 = arith.cmpi slt, %select_n3A_342, %lt3A_349 : i32
    %lt3A_351 = arith.constant 134217728 : i32
    %lt3A_352 = arith.cmpi slt, %select_n3A_337, %lt3A_351 : i32
    %select_n3A_353 = arith.select %lt3A_352, %select_n3A_337, %select_n3A_332 : i32
    %select_n3A_354 = arith.select %lt3A_350, %select_n3A_342, %select_n3A_353 : i32
    %select_n3A_355 = arith.select %lt3A_348, %select_n3A_347, %select_n3A_354 : i32
    %lt3A_356 = arith.constant 134217728 : i32
    %lt3A_357 = arith.cmpi slt, %select_n3A_347, %lt3A_356 : i32
    %lt3A_358 = arith.constant 134217728 : i32
    %lt3A_359 = arith.cmpi slt, %select_n3A_342, %lt3A_358 : i32
    %lt3A_360 = arith.constant 134217728 : i32
    %lt3A_361 = arith.cmpi slt, %select_n3A_337, %lt3A_360 : i32
    %jit3A_362 = arith.constant 3 : i32
    %jit3A_363 = arith.constant 2 : i32
    %select_n3A_364 = arith.select %lt3A_361, %jit3A_362, %jit3A_363 : i32
    %jit3A_365 = arith.constant 4 : i32
    %select_n3A_366 = arith.select %lt3A_359, %jit3A_365, %select_n3A_364 : i32
    %jit3A_367 = arith.constant 5 : i32
    %select_n3A_368 = arith.select %lt3A_357, %jit3A_367, %select_n3A_366 : i32
    %lt3A_369 = arith.constant 134217728 : i32
    %lt3A_370 = arith.cmpi slt, %select_n3A_355, %lt3A_369 : i32
    %add3A_371 = arith.addi %select_n3A_355, %select_n3A_368 : i32
    %jit3A_372 = arith.constant 0 : i32
    %select_n3A_373 = arith.select %lt3A_370, %add3A_371, %jit3A_372 : i32
    %get3A_374 = arith.index_cast %select_n3A_373 : i32 to index
    %get3A_375 = tpu.vector_load %arg6[%get3A_374] {strides = array<i32>} : memref<8224xi32, #tpu.memory_space<vmem>>, vector<16xi32>,
    %get3A_376 = vector.shape_cast %get3A_375 : vector<16xi32> to vector<16xi32>
    %sub3A_377 = arith.subi %squeeze3A_59, %select_n3A_373 : i32
    %min3A_378 = arith.constant 8 : i32
    %min3A_379 = arith.minsi %sub3A_377, %min3A_378 : i32
    %jit3A_380 = arith.constant 0 : i32
    %select_n3A_381 = arith.select %lt3A_370, %min3A_379, %jit3A_380 : i32
    %broadcast_in_dim3A_382 = vector.broadcast %select_n3A_381 : i32 to vector<16xi32>
    %sub3A_383 = arith.subi %broadcast_in_dim3A_382, %iota3A : vector<16xi32>
    %max3A_384 = arith.maxsi %sub3A_383, %broadcast_in_dim3A_63 : vector<16xi32>
    %min3A_385 = arith.minsi %max3A_384, %broadcast_in_dim3A_61 : vector<16xi32>
    %neg3A = arith.constant 0 : i32
    %neg3A_386 = vector.broadcast %neg3A : i32 to vector<16xi32>
    %neg3A_387 = arith.subi %neg3A_386, %min3A_385 : vector<16xi32>
    %and3A_388 = arith.andi %get3A_376, %neg3A_387 : vector<16xi32>
    %not3A = arith.constant dense<-1> : vector<16xi32>
    %not3A_389 = arith.xori %neg3A_387, %not3A : vector<16xi32>
    %or3A = arith.ori %and3A_388, %not3A_389 : vector<16xi32>
    %xor3A = arith.constant 8 : i32
    %xor3A_390 = vector.broadcast %xor3A : i32 to vector<16xi32>
    %xor3A_391 = arith.xori %iota3A, %xor3A_390 : vector<16xi32>
    %min3A_392 = arith.minsi %xor3A_391, %broadcast_in_dim3A_61 : vector<16xi32>
    %sub3A_393 = arith.subi %min3A_392, %broadcast_in_dim3A_61 : vector<16xi32>
    %jit3A_394 = arith.constant 0 : i32
    %jit3A_395 = arith.constant 1 : i32
    %select_n3A_396 = arith.select %lt3A_370, %jit3A_394, %jit3A_395 : i32
    %not3A_397 = arith.constant dense<-1> : vector<16xi32>
    %not3A_398 = arith.xori %sub3A_393, %not3A_397 : vector<16xi32>
    %and3A_399 = arith.andi %or3A, %not3A_398 : vector<16xi32>
    %broadcast_in_dim3A_400 = vector.broadcast %select_n3A_396 : i32 to vector<16xi32>
    %and3A_401 = arith.andi %broadcast_in_dim3A_400, %sub3A_393 : vector<16xi32>
    %or3A_402 = arith.ori %and3A_399, %and3A_401 : vector<16xi32>
    %swap3A_403 = arith.constant 0 : index
    %swap3A_404 = tpu.vector_load %arg9[%swap3A_403] {strides = array<i32>} : memref<16xi32, #tpu.memory_space<vmem>>, vector<16xi32>,
    %swap3A_405 = vector.shape_cast %swap3A_404 : vector<16xi32> to vector<16xi32>
    %swap3A_406 = vector.shape_cast %or3A_402 : vector<16xi32> to vector<16xi32>
    tpu.vector_store %arg9[%swap3A_403], %swap3A_406 {strides = array<i32>} : memref<16xi32, #tpu.memory_space<vmem>>, vector<16xi32>,
    %dma_start3A_407 = arith.constant 0 : i32
    %dma_start3A_408 = tpu.memref_slice %arg5[%squeeze3A, %dma_start3A_407] : memref<64x16xi32, #tpu.memory_space<hbm>> -> memref<1x16xi32, #tpu.memory_space<hbm>>
    %dma_start3A_409 = tpu.memref_squeeze %dma_start3A_408 : memref<1x16xi32, #tpu.memory_space<hbm>> -> memref<16xi32, #tpu.memory_space<hbm>>
    %dma_start3A_410 = arith.constant 0 : i32
    %dma_start3A_411 = tpu.memref_slice %arg5[%squeeze3A, %dma_start3A_410] : memref<64x16xi32, #tpu.memory_space<hbm>> -> memref<1x16xi32, #tpu.memory_space<hbm>>
    %dma_start3A_412 = tpu.memref_squeeze %dma_start3A_411 : memref<1x16xi32, #tpu.memory_space<hbm>> -> memref<16xi32, #tpu.memory_space<hbm>>
    tpu.enqueue_dma source(%arg9 : memref<16xi32, #tpu.memory_space<vmem>>) target(%dma_start3A_412 : memref<16xi32, #tpu.memory_space<hbm>>) target_semaphore(%arg12 : memref<!tpu.dma_semaphore, #tpu.memory_space<semaphore_mem>>)
    %dma_wait3A_413 = arith.constant 0 : i32
    %dma_wait3A_414 = tpu.memref_slice %arg7[%dma_wait3A_413] : memref<8224xi32, #tpu.memory_space<vmem>> -> memref<8192xi32, #tpu.memory_space<vmem>>
    %dma_wait3A_415 = arith.constant 0 : i32
    %dma_wait3A_416 = tpu.memref_slice %arg4[%squeeze3A_10, %dma_wait3A_415] : memref<64x8192xi32, #tpu.memory_space<hbm>> -> memref<1x8192xi32, #tpu.memory_space<hbm>>
    %dma_wait3A_417 = tpu.memref_squeeze %dma_wait3A_416 : memref<1x8192xi32, #tpu.memory_space<hbm>> -> memref<8192xi32, #tpu.memory_space<hbm>>
    %dma_wait3A_418 = arith.constant 0 : i32
    %dma_wait3A_419 = tpu.memref_slice %arg7[%dma_wait3A_418] : memref<8224xi32, #tpu.memory_space<vmem>> -> memref<8192xi32, #tpu.memory_space<vmem>>
    %dma_wait3A_420 = arith.constant 0 : i32
    %dma_wait3A_421 = tpu.memref_slice %arg4[%squeeze3A_10, %dma_wait3A_420] : memref<64x8192xi32, #tpu.memory_space<hbm>> -> memref<1x8192xi32, #tpu.memory_space<hbm>>
    %dma_wait3A_422 = tpu.memref_squeeze %dma_wait3A_421 : memref<1x8192xi32, #tpu.memory_space<hbm>> -> memref<8192xi32, #tpu.memory_space<hbm>>
    tpu.wait_dma2 semaphore(%arg13 : memref<!tpu.dma_semaphore, #tpu.memory_space<semaphore_mem>>) src(%dma_wait3A_422 : memref<8192xi32, #tpu.memory_space<hbm>>) dst(%dma_wait3A_419 : memref<8192xi32, #tpu.memory_space<vmem>>)
    %get3A_423 = arith.index_cast %squeeze3A_10 : i32 to index
    %get3A_424 = tpu.vector_load %arg8[%get3A_423] {strides = array<i32>} : memref<144xi32, #tpu.memory_space<vmem>>, vector<16xi32>,
    %get3A_425 = vector.shape_cast %get3A_424 : vector<16xi32> to vector<16xi32>
    %slice3A_426 = vector.extract_strided_slice %get3A_425 {offsets = [0], sizes = [1], strides = [1]} : vector<16xi32> to vector<1xi32>
    %squeeze3A_427 = vector.extract %slice3A_426[0] : i32 from vector<1xi32>
    %iota3A_428 = tpu.iota {dimensions = array<i32: 0>} : vector<16xi32>
    %broadcast_in_dim3A_429 = arith.constant 1 : i32
    %broadcast_in_dim3A_430 = vector.broadcast %broadcast_in_dim3A_429 : i32 to vector<16xi32>
    %broadcast_in_dim3A_431 = arith.constant 0 : i32
    %broadcast_in_dim3A_432 = vector.broadcast %broadcast_in_dim3A_431 : i32 to vector<16xi32>
    %sub3A_433 = arith.constant 5 : i32
    %sub3A_434 = arith.subi %squeeze3A_427, %sub3A_433 : i32
    %get3A_435 = arith.index_cast %sub3A_434 : i32 to index
    %get3A_436 = tpu.vector_load %arg7[%get3A_435] {strides = array<i32>} : memref<8224xi32, #tpu.memory_space<vmem>>, vector<16xi32>,
    %get3A_437 = vector.shape_cast %get3A_436 : vector<16xi32> to vector<16xi32>
    %slice3A_438 = vector.extract_strided_slice %get3A_437 {offsets = [0], sizes = [1], strides = [1]} : vector<16xi32> to vector<1xi32>
    %squeeze3A_439 = vector.extract %slice3A_438[0] : i32 from vector<1xi32>
    %broadcast_in_dim3A_440 = vector.broadcast %squeeze3A_439 : i32 to vector<16xi32>
    %slice3A_441 = vector.extract_strided_slice %get3A_437 {offsets = [1], sizes = [1], strides = [1]} : vector<16xi32> to vector<1xi32>
    %squeeze3A_442 = vector.extract %slice3A_441[0] : i32 from vector<1xi32>
    %broadcast_in_dim3A_443 = vector.broadcast %squeeze3A_442 : i32 to vector<16xi32>
    %slice3A_444 = vector.extract_strided_slice %get3A_437 {offsets = [2], sizes = [1], strides = [1]} : vector<16xi32> to vector<1xi32>
    %squeeze3A_445 = vector.extract %slice3A_444[0] : i32 from vector<1xi32>
    %broadcast_in_dim3A_446 = vector.broadcast %squeeze3A_445 : i32 to vector<16xi32>
    %slice3A_447 = vector.extract_strided_slice %get3A_437 {offsets = [3], sizes = [1], strides = [1]} : vector<16xi32> to vector<1xi32>
    %squeeze3A_448 = vector.extract %slice3A_447[0] : i32 from vector<1xi32>
    %broadcast_in_dim3A_449 = vector.broadcast %squeeze3A_448 : i32 to vector<16xi32>
    %slice3A_450 = vector.extract_strided_slice %get3A_437 {offsets = [4], sizes = [1], strides = [1]} : vector<16xi32> to vector<1xi32>
    %squeeze3A_451 = vector.extract %slice3A_450[0] : i32 from vector<1xi32>
    %broadcast_in_dim3A_452 = vector.broadcast %squeeze3A_451 : i32 to vector<16xi32>
    %broadcast_in_dim3A_453 = arith.constant 134217728 : i32
    %broadcast_in_dim3A_454 = vector.broadcast %broadcast_in_dim3A_453 : i32 to vector<16xi32>
    %add3A_455 = arith.constant 13 : i32
    %add3A_456 = arith.addi %squeeze3A_427, %add3A_455 : i32
    %jit3A_457 = arith.constant 16 : i32
    %div3A_458 = arith.divsi %add3A_456, %jit3A_457 : i32
    %sign3A_459 = arith.constant 0 : i32
    %sign3A_460 = arith.cmpi sgt, %add3A_456, %sign3A_459 : i32
    %sign3A_461 = arith.extui %sign3A_460 : i1 to i32
    %sign3A_462 = arith.constant 0 : i32
    %sign3A_463 = arith.cmpi slt, %add3A_456, %sign3A_462 : i32
    %sign3A_464 = arith.extui %sign3A_463 : i1 to i32
    %sign3A_465 = arith.subi %sign3A_461, %sign3A_464 : i32
    %sign3A_466 = arith.constant 0 : i32
    %sign3A_467 = arith.cmpi sgt, %jit3A_457, %sign3A_466 : i32
    %sign3A_468 = arith.extui %sign3A_467 : i1 to i32
    %sign3A_469 = arith.constant 0 : i32
    %sign3A_470 = arith.cmpi slt, %jit3A_457, %sign3A_469 : i32
    %sign3A_471 = arith.extui %sign3A_470 : i1 to i32
    %sign3A_472 = arith.subi %sign3A_468, %sign3A_471 : i32
    %ne3A_473 = arith.cmpi ne, %sign3A_465, %sign3A_472 : i32
    %rem3A_474 = arith.remsi %add3A_456, %jit3A_457 : i32
    %ne3A_475 = arith.constant 0 : i32
    %ne3A_476 = arith.cmpi ne, %rem3A_474, %ne3A_475 : i32
    %and3A_477 = arith.andi %ne3A_473, %ne3A_476 : i1
    %sub3A_478 = arith.constant 1 : i32
    %sub3A_479 = arith.subi %div3A_458, %sub3A_478 : i32
    %select_n3A_480 = arith.select %and3A_477, %sub3A_479, %div3A_458 : i32
    %mul3A_481 = arith.constant 16 : i32
    %mul3A_482 = arith.muli %select_n3A_480, %mul3A_481 : i32
    %parallel_loop3A_483 = arith.constant 0 : i32
    %parallel_loop3A_484 = arith.constant 16 : i32
    %parallel_loop3A_485 = scf.for %parallel_loop3A_810 = %parallel_loop3A_483 to %mul3A_482 step %parallel_loop3A_484 iter_args(%parallel_loop3A_811 = %broadcast_in_dim3A_454) -> (vector<16xi32>)  : i32 {
      %parallel_loop3A_812 = arith.index_cast %parallel_loop3A_810 : i32 to index
      %parallel_loop3A_813 = tpu.vector_load %arg7[%parallel_loop3A_812] {strides = array<i32>} : memref<8224xi32, #tpu.memory_space<vmem>>, vector<16xi32>,
      %parallel_loop3A_814 = vector.shape_cast %parallel_loop3A_813 : vector<16xi32> to vector<16xi32>
      %parallel_loop3A_815 = arith.constant 1 : i32
      %parallel_loop3A_816 = arith.addi %parallel_loop3A_810, %parallel_loop3A_815 : i32
      %parallel_loop3A_817 = arith.index_cast %parallel_loop3A_816 : i32 to index
      %parallel_loop3A_818 = tpu.vector_load %arg7[%parallel_loop3A_817] {strides = array<i32>} : memref<8224xi32, #tpu.memory_space<vmem>>, vector<16xi32>,
      %parallel_loop3A_819 = vector.shape_cast %parallel_loop3A_818 : vector<16xi32> to vector<16xi32>
      %parallel_loop3A_820 = arith.xori %parallel_loop3A_814, %broadcast_in_dim3A_449 : vector<16xi32>
      %parallel_loop3A_821 = arith.xori %parallel_loop3A_819, %broadcast_in_dim3A_452 : vector<16xi32>
      %parallel_loop3A_822 = arith.ori %parallel_loop3A_820, %parallel_loop3A_821 : vector<16xi32>
      %parallel_loop3A_823 = vector.broadcast %parallel_loop3A_810 : i32 to vector<16xi32>
      %parallel_loop3A_824 = arith.addi %parallel_loop3A_823, %iota3A_428 : vector<16xi32>
      %parallel_loop3A_825 = arith.minsi %parallel_loop3A_822, %broadcast_in_dim3A_430 : vector<16xi32>
      %parallel_loop3A_826 = arith.constant 27 : i32
      %parallel_loop3A_827 = vector.broadcast %parallel_loop3A_826 : i32 to vector<16xi32>
      %parallel_loop3A_828 = arith.shli %parallel_loop3A_825, %parallel_loop3A_827 : vector<16xi32>
      %parallel_loop3A_829 = arith.addi %parallel_loop3A_824, %parallel_loop3A_828 : vector<16xi32>
      %parallel_loop3A_830 = arith.minsi %parallel_loop3A_811, %parallel_loop3A_829 : vector<16xi32>
      scf.yield %parallel_loop3A_830 : vector<16xi32>
    } {sc.loop_unroll_factor = 16 : i64, sc.parallel_access}
    %swap3A_486 = arith.constant 16 : index
    %swap3A_487 = tpu.vector_load %arg11[%swap3A_486] {strides = array<i32>} : memref<32xi32, #tpu.memory_space<vmem>>, vector<16xi32>,
    %swap3A_488 = vector.shape_cast %swap3A_487 : vector<16xi32> to vector<16xi32>
    %swap3A_489 = vector.shape_cast %broadcast_in_dim3A_454 : vector<16xi32> to vector<16xi32>
    tpu.vector_store %arg11[%swap3A_486], %swap3A_489 {strides = array<i32>} : memref<32xi32, #tpu.memory_space<vmem>>, vector<16xi32>,
    %swap3A_490 = arith.constant 0 : index
    %swap3A_491 = tpu.vector_load %arg11[%swap3A_490] {strides = array<i32>} : memref<32xi32, #tpu.memory_space<vmem>>, vector<16xi32>,
    %swap3A_492 = vector.shape_cast %swap3A_491 : vector<16xi32> to vector<16xi32>
    %swap3A_493 = vector.shape_cast %parallel_loop3A_485 : vector<16xi32> to vector<16xi32>
    tpu.vector_store %arg11[%swap3A_490], %swap3A_493 {strides = array<i32>} : memref<32xi32, #tpu.memory_space<vmem>>, vector<16xi32>,
    %get3A_494 = arith.constant 0 : index
    %get3A_495 = tpu.vector_load %arg11[%get3A_494] {strides = array<i32>} : memref<32xi32, #tpu.memory_space<vmem>>, vector<16xi32>,
    %get3A_496 = vector.shape_cast %get3A_495 : vector<16xi32> to vector<16xi32>
    %get3A_497 = arith.constant 8 : index
    %get3A_498 = tpu.vector_load %arg11[%get3A_497] {strides = array<i32>} : memref<32xi32, #tpu.memory_space<vmem>>, vector<16xi32>,
    %get3A_499 = vector.shape_cast %get3A_498 : vector<16xi32> to vector<16xi32>
    %min3A_500 = arith.minsi %get3A_496, %get3A_499 : vector<16xi32>
    %swap3A_501 = arith.constant 0 : index
    %swap3A_502 = tpu.vector_load %arg11[%swap3A_501] {strides = array<i32>} : memref<32xi32, #tpu.memory_space<vmem>>, vector<16xi32>,
    %swap3A_503 = vector.shape_cast %swap3A_502 : vector<16xi32> to vector<16xi32>
    %swap3A_504 = vector.shape_cast %min3A_500 : vector<16xi32> to vector<16xi32>
    tpu.vector_store %arg11[%swap3A_501], %swap3A_504 {strides = array<i32>} : memref<32xi32, #tpu.memory_space<vmem>>, vector<16xi32>,
    %get3A_505 = arith.constant 0 : index
    %get3A_506 = tpu.vector_load %arg11[%get3A_505] {strides = array<i32>} : memref<32xi32, #tpu.memory_space<vmem>>, vector<16xi32>,
    %get3A_507 = vector.shape_cast %get3A_506 : vector<16xi32> to vector<16xi32>
    %get3A_508 = arith.constant 4 : index
    %get3A_509 = tpu.vector_load %arg11[%get3A_508] {strides = array<i32>} : memref<32xi32, #tpu.memory_space<vmem>>, vector<16xi32>,
    %get3A_510 = vector.shape_cast %get3A_509 : vector<16xi32> to vector<16xi32>
    %min3A_511 = arith.minsi %get3A_507, %get3A_510 : vector<16xi32>
    %swap3A_512 = arith.constant 0 : index
    %swap3A_513 = tpu.vector_load %arg11[%swap3A_512] {strides = array<i32>} : memref<32xi32, #tpu.memory_space<vmem>>, vector<16xi32>,
    %swap3A_514 = vector.shape_cast %swap3A_513 : vector<16xi32> to vector<16xi32>
    %swap3A_515 = vector.shape_cast %min3A_511 : vector<16xi32> to vector<16xi32>
    tpu.vector_store %arg11[%swap3A_512], %swap3A_515 {strides = array<i32>} : memref<32xi32, #tpu.memory_space<vmem>>, vector<16xi32>,
    %get3A_516 = arith.constant 0 : index
    %get3A_517 = tpu.vector_load %arg11[%get3A_516] {strides = array<i32>} : memref<32xi32, #tpu.memory_space<vmem>>, vector<16xi32>,
    %get3A_518 = vector.shape_cast %get3A_517 : vector<16xi32> to vector<16xi32>
    %get3A_519 = arith.constant 2 : index
    %get3A_520 = tpu.vector_load %arg11[%get3A_519] {strides = array<i32>} : memref<32xi32, #tpu.memory_space<vmem>>, vector<16xi32>,
    %get3A_521 = vector.shape_cast %get3A_520 : vector<16xi32> to vector<16xi32>
    %min3A_522 = arith.minsi %get3A_518, %get3A_521 : vector<16xi32>
    %swap3A_523 = arith.constant 0 : index
    %swap3A_524 = tpu.vector_load %arg11[%swap3A_523] {strides = array<i32>} : memref<32xi32, #tpu.memory_space<vmem>>, vector<16xi32>,
    %swap3A_525 = vector.shape_cast %swap3A_524 : vector<16xi32> to vector<16xi32>
    %swap3A_526 = vector.shape_cast %min3A_522 : vector<16xi32> to vector<16xi32>
    tpu.vector_store %arg11[%swap3A_523], %swap3A_526 {strides = array<i32>} : memref<32xi32, #tpu.memory_space<vmem>>, vector<16xi32>,
    %get3A_527 = arith.constant 0 : index
    %get3A_528 = tpu.vector_load %arg11[%get3A_527] {strides = array<i32>} : memref<32xi32, #tpu.memory_space<vmem>>, vector<16xi32>,
    %get3A_529 = vector.shape_cast %get3A_528 : vector<16xi32> to vector<16xi32>
    %get3A_530 = arith.constant 1 : index
    %get3A_531 = tpu.vector_load %arg11[%get3A_530] {strides = array<i32>} : memref<32xi32, #tpu.memory_space<vmem>>, vector<16xi32>,
    %get3A_532 = vector.shape_cast %get3A_531 : vector<16xi32> to vector<16xi32>
    %min3A_533 = arith.minsi %get3A_529, %get3A_532 : vector<16xi32>
    %swap3A_534 = arith.constant 0 : index
    %swap3A_535 = tpu.vector_load %arg11[%swap3A_534] {strides = array<i32>} : memref<32xi32, #tpu.memory_space<vmem>>, vector<16xi32>,
    %swap3A_536 = vector.shape_cast %swap3A_535 : vector<16xi32> to vector<16xi32>
    %swap3A_537 = vector.shape_cast %min3A_533 : vector<16xi32> to vector<16xi32>
    tpu.vector_store %arg11[%swap3A_534], %swap3A_537 {strides = array<i32>} : memref<32xi32, #tpu.memory_space<vmem>>, vector<16xi32>,
    %get3A_538 = arith.constant 0 : index
    %get3A_539 = tpu.vector_load %arg11[%get3A_538] {strides = array<i32>} : memref<32xi32, #tpu.memory_space<vmem>>, vector<16xi32>,
    %get3A_540 = vector.shape_cast %get3A_539 : vector<16xi32> to vector<16xi32>
    %slice3A_541 = vector.extract_strided_slice %get3A_540 {offsets = [0], sizes = [1], strides = [1]} : vector<16xi32> to vector<1xi32>
    %squeeze3A_542 = vector.extract %slice3A_541[0] : i32 from vector<1xi32>
    %sub3A_543 = arith.constant 3 : i32
    %sub3A_544 = arith.subi %squeeze3A_542, %sub3A_543 : i32
    %max3A_545 = arith.constant 0 : i32
    %max3A_546 = arith.maxsi %sub3A_544, %max3A_545 : i32
    %parallel_loop3A_547 = arith.constant 16 : i32
    %parallel_loop3A_548:3 = scf.for %parallel_loop3A_810 = %max3A_546 to %mul3A_482 step %parallel_loop3A_547 iter_args(%parallel_loop3A_811 = %broadcast_in_dim3A_454, %parallel_loop3A_812 = %broadcast_in_dim3A_454, %parallel_loop3A_813 = %broadcast_in_dim3A_454) -> (vector<16xi32>, vector<16xi32>, vector<16xi32>)  : i32 {
      %parallel_loop3A_814 = arith.index_cast %parallel_loop3A_810 : i32 to index
      %parallel_loop3A_815 = tpu.vector_load %arg7[%parallel_loop3A_814] {strides = array<i32>} : memref<8224xi32, #tpu.memory_space<vmem>>, vector<16xi32>,
      %parallel_loop3A_816 = vector.shape_cast %parallel_loop3A_815 : vector<16xi32> to vector<16xi32>
      %parallel_loop3A_817 = arith.constant 1 : i32
      %parallel_loop3A_818 = arith.addi %parallel_loop3A_810, %parallel_loop3A_817 : i32
      %parallel_loop3A_819 = arith.index_cast %parallel_loop3A_818 : i32 to index
      %parallel_loop3A_820 = tpu.vector_load %arg7[%parallel_loop3A_819] {strides = array<i32>} : memref<8224xi32, #tpu.memory_space<vmem>>, vector<16xi32>,
      %parallel_loop3A_821 = vector.shape_cast %parallel_loop3A_820 : vector<16xi32> to vector<16xi32>
      %parallel_loop3A_822 = arith.constant 2 : i32
      %parallel_loop3A_823 = arith.addi %parallel_loop3A_810, %parallel_loop3A_822 : i32
      %parallel_loop3A_824 = arith.index_cast %parallel_loop3A_823 : i32 to index
      %parallel_loop3A_825 = tpu.vector_load %arg7[%parallel_loop3A_824] {strides = array<i32>} : memref<8224xi32, #tpu.memory_space<vmem>>, vector<16xi32>,
      %parallel_loop3A_826 = vector.shape_cast %parallel_loop3A_825 : vector<16xi32> to vector<16xi32>
      %parallel_loop3A_827 = arith.constant 3 : i32
      %parallel_loop3A_828 = arith.addi %parallel_loop3A_810, %parallel_loop3A_827 : i32
      %parallel_loop3A_829 = arith.index_cast %parallel_loop3A_828 : i32 to index
      %parallel_loop3A_830 = tpu.vector_load %arg7[%parallel_loop3A_829] {strides = array<i32>} : memref<8224xi32, #tpu.memory_space<vmem>>, vector<16xi32>,
      %parallel_loop3A_831 = vector.shape_cast %parallel_loop3A_830 : vector<16xi32> to vector<16xi32>
      %parallel_loop3A_832 = arith.constant 4 : i32
      %parallel_loop3A_833 = arith.addi %parallel_loop3A_810, %parallel_loop3A_832 : i32
      %parallel_loop3A_834 = arith.index_cast %parallel_loop3A_833 : i32 to index
      %parallel_loop3A_835 = tpu.vector_load %arg7[%parallel_loop3A_834] {strides = array<i32>} : memref<8224xi32, #tpu.memory_space<vmem>>, vector<16xi32>,
      %parallel_loop3A_836 = vector.shape_cast %parallel_loop3A_835 : vector<16xi32> to vector<16xi32>
      %parallel_loop3A_837 = arith.xori %parallel_loop3A_821, %broadcast_in_dim3A_449 : vector<16xi32>
      %parallel_loop3A_838 = arith.xori %parallel_loop3A_826, %broadcast_in_dim3A_452 : vector<16xi32>
      %parallel_loop3A_839 = arith.xori %parallel_loop3A_816, %broadcast_in_dim3A_446 : vector<16xi32>
      %parallel_loop3A_840 = arith.ori %parallel_loop3A_837, %parallel_loop3A_838 : vector<16xi32>
      %parallel_loop3A_841 = arith.ori %parallel_loop3A_839, %parallel_loop3A_840 : vector<16xi32>
      %parallel_loop3A_842 = arith.xori %parallel_loop3A_826, %broadcast_in_dim3A_449 : vector<16xi32>
      %parallel_loop3A_843 = arith.xori %parallel_loop3A_831, %broadcast_in_dim3A_452 : vector<16xi32>
      %parallel_loop3A_844 = arith.xori %parallel_loop3A_816, %broadcast_in_dim3A_443 : vector<16xi32>
      %parallel_loop3A_845 = arith.xori %parallel_loop3A_821, %broadcast_in_dim3A_446 : vector<16xi32>
      %parallel_loop3A_846 = arith.ori %parallel_loop3A_844, %parallel_loop3A_845 : vector<16xi32>
      %parallel_loop3A_847 = arith.ori %parallel_loop3A_842, %parallel_loop3A_843 : vector<16xi32>
      %parallel_loop3A_848 = arith.ori %parallel_loop3A_846, %parallel_loop3A_847 : vector<16xi32>
      %parallel_loop3A_849 = arith.xori %parallel_loop3A_816, %broadcast_in_dim3A_440 : vector<16xi32>
      %parallel_loop3A_850 = arith.xori %parallel_loop3A_821, %broadcast_in_dim3A_443 : vector<16xi32>
      %parallel_loop3A_851 = arith.ori %parallel_loop3A_849, %parallel_loop3A_850 : vector<16xi32>
      %parallel_loop3A_852 = arith.xori %parallel_loop3A_826, %broadcast_in_dim3A_446 : vector<16xi32>
      %parallel_loop3A_853 = arith.xori %parallel_loop3A_831, %broadcast_in_dim3A_449 : vector<16xi32>
      %parallel_loop3A_854 = arith.ori %parallel_loop3A_852, %parallel_loop3A_853 : vector<16xi32>
      %parallel_loop3A_855 = arith.ori %parallel_loop3A_851, %parallel_loop3A_854 : vector<16xi32>
      %parallel_loop3A_856 = arith.xori %parallel_loop3A_836, %broadcast_in_dim3A_452 : vector<16xi32>
      %parallel_loop3A_857 = arith.ori %parallel_loop3A_855, %parallel_loop3A_856 : vector<16xi32>
      %parallel_loop3A_858 = vector.broadcast %parallel_loop3A_810 : i32 to vector<16xi32>
      %parallel_loop3A_859 = arith.addi %parallel_loop3A_858, %iota3A_428 : vector<16xi32>
      %parallel_loop3A_860 = arith.minsi %parallel_loop3A_841, %broadcast_in_dim3A_430 : vector<16xi32>
      %parallel_loop3A_861 = arith.constant 27 : i32
      %parallel_loop3A_862 = vector.broadcast %parallel_loop3A_861 : i32 to vector<16xi32>
      %parallel_loop3A_863 = arith.shli %parallel_loop3A_860, %parallel_loop3A_862 : vector<16xi32>
      %parallel_loop3A_864 = arith.addi %parallel_loop3A_859, %parallel_loop3A_863 : vector<16xi32>
      %parallel_loop3A_865 = arith.minsi %parallel_loop3A_811, %parallel_loop3A_864 : vector<16xi32>
      %parallel_loop3A_866 = arith.minsi %parallel_loop3A_848, %broadcast_in_dim3A_430 : vector<16xi32>
      %parallel_loop3A_867 = arith.constant 27 : i32
      %parallel_loop3A_868 = vector.broadcast %parallel_loop3A_867 : i32 to vector<16xi32>
      %parallel_loop3A_869 = arith.shli %parallel_loop3A_866, %parallel_loop3A_868 : vector<16xi32>
      %parallel_loop3A_870 = arith.addi %parallel_loop3A_859, %parallel_loop3A_869 : vector<16xi32>
      %parallel_loop3A_871 = arith.minsi %parallel_loop3A_812, %parallel_loop3A_870 : vector<16xi32>
      %parallel_loop3A_872 = arith.minsi %parallel_loop3A_857, %broadcast_in_dim3A_430 : vector<16xi32>
      %parallel_loop3A_873 = arith.constant 27 : i32
      %parallel_loop3A_874 = vector.broadcast %parallel_loop3A_873 : i32 to vector<16xi32>
      %parallel_loop3A_875 = arith.shli %parallel_loop3A_872, %parallel_loop3A_874 : vector<16xi32>
      %parallel_loop3A_876 = arith.addi %parallel_loop3A_859, %parallel_loop3A_875 : vector<16xi32>
      %parallel_loop3A_877 = arith.minsi %parallel_loop3A_813, %parallel_loop3A_876 : vector<16xi32>
      scf.yield %parallel_loop3A_865, %parallel_loop3A_871, %parallel_loop3A_877 : vector<16xi32>, vector<16xi32>, vector<16xi32>
    } {sc.loop_unroll_factor = 2 : i64, sc.parallel_access}
    %swap3A_549 = arith.constant 0 : index
    %swap3A_550 = tpu.vector_load %arg11[%swap3A_549] {strides = array<i32>} : memref<32xi32, #tpu.memory_space<vmem>>, vector<16xi32>,
    %swap3A_551 = vector.shape_cast %swap3A_550 : vector<16xi32> to vector<16xi32>
    %swap3A_552 = vector.shape_cast %parallel_loop3A_548#0 : vector<16xi32> to vector<16xi32>
    tpu.vector_store %arg11[%swap3A_549], %swap3A_552 {strides = array<i32>} : memref<32xi32, #tpu.memory_space<vmem>>, vector<16xi32>,
    %get3A_553 = arith.constant 0 : index
    %get3A_554 = tpu.vector_load %arg11[%get3A_553] {strides = array<i32>} : memref<32xi32, #tpu.memory_space<vmem>>, vector<16xi32>,
    %get3A_555 = vector.shape_cast %get3A_554 : vector<16xi32> to vector<16xi32>
    %get3A_556 = arith.constant 8 : index
    %get3A_557 = tpu.vector_load %arg11[%get3A_556] {strides = array<i32>} : memref<32xi32, #tpu.memory_space<vmem>>, vector<16xi32>,
    %get3A_558 = vector.shape_cast %get3A_557 : vector<16xi32> to vector<16xi32>
    %min3A_559 = arith.minsi %get3A_555, %get3A_558 : vector<16xi32>
    %swap3A_560 = arith.constant 0 : index
    %swap3A_561 = tpu.vector_load %arg11[%swap3A_560] {strides = array<i32>} : memref<32xi32, #tpu.memory_space<vmem>>, vector<16xi32>,
    %swap3A_562 = vector.shape_cast %swap3A_561 : vector<16xi32> to vector<16xi32>
    %swap3A_563 = vector.shape_cast %min3A_559 : vector<16xi32> to vector<16xi32>
    tpu.vector_store %arg11[%swap3A_560], %swap3A_563 {strides = array<i32>} : memref<32xi32, #tpu.memory_space<vmem>>, vector<16xi32>,
    %get3A_564 = arith.constant 0 : index
    %get3A_565 = tpu.vector_load %arg11[%get3A_564] {strides = array<i32>} : memref<32xi32, #tpu.memory_space<vmem>>, vector<16xi32>,
    %get3A_566 = vector.shape_cast %get3A_565 : vector<16xi32> to vector<16xi32>
    %get3A_567 = arith.constant 4 : index
    %get3A_568 = tpu.vector_load %arg11[%get3A_567] {strides = array<i32>} : memref<32xi32, #tpu.memory_space<vmem>>, vector<16xi32>,
    %get3A_569 = vector.shape_cast %get3A_568 : vector<16xi32> to vector<16xi32>
    %min3A_570 = arith.minsi %get3A_566, %get3A_569 : vector<16xi32>
    %swap3A_571 = arith.constant 0 : index
    %swap3A_572 = tpu.vector_load %arg11[%swap3A_571] {strides = array<i32>} : memref<32xi32, #tpu.memory_space<vmem>>, vector<16xi32>,
    %swap3A_573 = vector.shape_cast %swap3A_572 : vector<16xi32> to vector<16xi32>
    %swap3A_574 = vector.shape_cast %min3A_570 : vector<16xi32> to vector<16xi32>
    tpu.vector_store %arg11[%swap3A_571], %swap3A_574 {strides = array<i32>} : memref<32xi32, #tpu.memory_space<vmem>>, vector<16xi32>,
    %get3A_575 = arith.constant 0 : index
    %get3A_576 = tpu.vector_load %arg11[%get3A_575] {strides = array<i32>} : memref<32xi32, #tpu.memory_space<vmem>>, vector<16xi32>,
    %get3A_577 = vector.shape_cast %get3A_576 : vector<16xi32> to vector<16xi32>
    %get3A_578 = arith.constant 2 : index
    %get3A_579 = tpu.vector_load %arg11[%get3A_578] {strides = array<i32>} : memref<32xi32, #tpu.memory_space<vmem>>, vector<16xi32>,
    %get3A_580 = vector.shape_cast %get3A_579 : vector<16xi32> to vector<16xi32>
    %min3A_581 = arith.minsi %get3A_577, %get3A_580 : vector<16xi32>
    %swap3A_582 = arith.constant 0 : index
    %swap3A_583 = tpu.vector_load %arg11[%swap3A_582] {strides = array<i32>} : memref<32xi32, #tpu.memory_space<vmem>>, vector<16xi32>,
    %swap3A_584 = vector.shape_cast %swap3A_583 : vector<16xi32> to vector<16xi32>
    %swap3A_585 = vector.shape_cast %min3A_581 : vector<16xi32> to vector<16xi32>
    tpu.vector_store %arg11[%swap3A_582], %swap3A_585 {strides = array<i32>} : memref<32xi32, #tpu.memory_space<vmem>>, vector<16xi32>,
    %get3A_586 = arith.constant 0 : index
    %get3A_587 = tpu.vector_load %arg11[%get3A_586] {strides = array<i32>} : memref<32xi32, #tpu.memory_space<vmem>>, vector<16xi32>,
    %get3A_588 = vector.shape_cast %get3A_587 : vector<16xi32> to vector<16xi32>
    %get3A_589 = arith.constant 1 : index
    %get3A_590 = tpu.vector_load %arg11[%get3A_589] {strides = array<i32>} : memref<32xi32, #tpu.memory_space<vmem>>, vector<16xi32>,
    %get3A_591 = vector.shape_cast %get3A_590 : vector<16xi32> to vector<16xi32>
    %min3A_592 = arith.minsi %get3A_588, %get3A_591 : vector<16xi32>
    %swap3A_593 = arith.constant 0 : index
    %swap3A_594 = tpu.vector_load %arg11[%swap3A_593] {strides = array<i32>} : memref<32xi32, #tpu.memory_space<vmem>>, vector<16xi32>,
    %swap3A_595 = vector.shape_cast %swap3A_594 : vector<16xi32> to vector<16xi32>
    %swap3A_596 = vector.shape_cast %min3A_592 : vector<16xi32> to vector<16xi32>
    tpu.vector_store %arg11[%swap3A_593], %swap3A_596 {strides = array<i32>} : memref<32xi32, #tpu.memory_space<vmem>>, vector<16xi32>,
    %get3A_597 = arith.constant 0 : index
    %get3A_598 = tpu.vector_load %arg11[%get3A_597] {strides = array<i32>} : memref<32xi32, #tpu.memory_space<vmem>>, vector<16xi32>,
    %get3A_599 = vector.shape_cast %get3A_598 : vector<16xi32> to vector<16xi32>
    %slice3A_600 = vector.extract_strided_slice %get3A_599 {offsets = [0], sizes = [1], strides = [1]} : vector<16xi32> to vector<1xi32>
    %squeeze3A_601 = vector.extract %slice3A_600[0] : i32 from vector<1xi32>
    %swap3A_602 = arith.constant 0 : index
    %swap3A_603 = tpu.vector_load %arg11[%swap3A_602] {strides = array<i32>} : memref<32xi32, #tpu.memory_space<vmem>>, vector<16xi32>,
    %swap3A_604 = vector.shape_cast %swap3A_603 : vector<16xi32> to vector<16xi32>
    %swap3A_605 = vector.shape_cast %parallel_loop3A_548#1 : vector<16xi32> to vector<16xi32>
    tpu.vector_store %arg11[%swap3A_602], %swap3A_605 {strides = array<i32>} : memref<32xi32, #tpu.memory_space<vmem>>, vector<16xi32>,
    %get3A_606 = arith.constant 0 : index
    %get3A_607 = tpu.vector_load %arg11[%get3A_606] {strides = array<i32>} : memref<32xi32, #tpu.memory_space<vmem>>, vector<16xi32>,
    %get3A_608 = vector.shape_cast %get3A_607 : vector<16xi32> to vector<16xi32>
    %get3A_609 = arith.constant 8 : index
    %get3A_610 = tpu.vector_load %arg11[%get3A_609] {strides = array<i32>} : memref<32xi32, #tpu.memory_space<vmem>>, vector<16xi32>,
    %get3A_611 = vector.shape_cast %get3A_610 : vector<16xi32> to vector<16xi32>
    %min3A_612 = arith.minsi %get3A_608, %get3A_611 : vector<16xi32>
    %swap3A_613 = arith.constant 0 : index
    %swap3A_614 = tpu.vector_load %arg11[%swap3A_613] {strides = array<i32>} : memref<32xi32, #tpu.memory_space<vmem>>, vector<16xi32>,
    %swap3A_615 = vector.shape_cast %swap3A_614 : vector<16xi32> to vector<16xi32>
    %swap3A_616 = vector.shape_cast %min3A_612 : vector<16xi32> to vector<16xi32>
    tpu.vector_store %arg11[%swap3A_613], %swap3A_616 {strides = array<i32>} : memref<32xi32, #tpu.memory_space<vmem>>, vector<16xi32>,
    %get3A_617 = arith.constant 0 : index
    %get3A_618 = tpu.vector_load %arg11[%get3A_617] {strides = array<i32>} : memref<32xi32, #tpu.memory_space<vmem>>, vector<16xi32>,
    %get3A_619 = vector.shape_cast %get3A_618 : vector<16xi32> to vector<16xi32>
    %get3A_620 = arith.constant 4 : index
    %get3A_621 = tpu.vector_load %arg11[%get3A_620] {strides = array<i32>} : memref<32xi32, #tpu.memory_space<vmem>>, vector<16xi32>,
    %get3A_622 = vector.shape_cast %get3A_621 : vector<16xi32> to vector<16xi32>
    %min3A_623 = arith.minsi %get3A_619, %get3A_622 : vector<16xi32>
    %swap3A_624 = arith.constant 0 : index
    %swap3A_625 = tpu.vector_load %arg11[%swap3A_624] {strides = array<i32>} : memref<32xi32, #tpu.memory_space<vmem>>, vector<16xi32>,
    %swap3A_626 = vector.shape_cast %swap3A_625 : vector<16xi32> to vector<16xi32>
    %swap3A_627 = vector.shape_cast %min3A_623 : vector<16xi32> to vector<16xi32>
    tpu.vector_store %arg11[%swap3A_624], %swap3A_627 {strides = array<i32>} : memref<32xi32, #tpu.memory_space<vmem>>, vector<16xi32>,
    %get3A_628 = arith.constant 0 : index
    %get3A_629 = tpu.vector_load %arg11[%get3A_628] {strides = array<i32>} : memref<32xi32, #tpu.memory_space<vmem>>, vector<16xi32>,
    %get3A_630 = vector.shape_cast %get3A_629 : vector<16xi32> to vector<16xi32>
    %get3A_631 = arith.constant 2 : index
    %get3A_632 = tpu.vector_load %arg11[%get3A_631] {strides = array<i32>} : memref<32xi32, #tpu.memory_space<vmem>>, vector<16xi32>,
    %get3A_633 = vector.shape_cast %get3A_632 : vector<16xi32> to vector<16xi32>
    %min3A_634 = arith.minsi %get3A_630, %get3A_633 : vector<16xi32>
    %swap3A_635 = arith.constant 0 : index
    %swap3A_636 = tpu.vector_load %arg11[%swap3A_635] {strides = array<i32>} : memref<32xi32, #tpu.memory_space<vmem>>, vector<16xi32>,
    %swap3A_637 = vector.shape_cast %swap3A_636 : vector<16xi32> to vector<16xi32>
    %swap3A_638 = vector.shape_cast %min3A_634 : vector<16xi32> to vector<16xi32>
    tpu.vector_store %arg11[%swap3A_635], %swap3A_638 {strides = array<i32>} : memref<32xi32, #tpu.memory_space<vmem>>, vector<16xi32>,
    %get3A_639 = arith.constant 0 : index
    %get3A_640 = tpu.vector_load %arg11[%get3A_639] {strides = array<i32>} : memref<32xi32, #tpu.memory_space<vmem>>, vector<16xi32>,
    %get3A_641 = vector.shape_cast %get3A_640 : vector<16xi32> to vector<16xi32>
    %get3A_642 = arith.constant 1 : index
    %get3A_643 = tpu.vector_load %arg11[%get3A_642] {strides = array<i32>} : memref<32xi32, #tpu.memory_space<vmem>>, vector<16xi32>,
    %get3A_644 = vector.shape_cast %get3A_643 : vector<16xi32> to vector<16xi32>
    %min3A_645 = arith.minsi %get3A_641, %get3A_644 : vector<16xi32>
    %swap3A_646 = arith.constant 0 : index
    %swap3A_647 = tpu.vector_load %arg11[%swap3A_646] {strides = array<i32>} : memref<32xi32, #tpu.memory_space<vmem>>, vector<16xi32>,
    %swap3A_648 = vector.shape_cast %swap3A_647 : vector<16xi32> to vector<16xi32>
    %swap3A_649 = vector.shape_cast %min3A_645 : vector<16xi32> to vector<16xi32>
    tpu.vector_store %arg11[%swap3A_646], %swap3A_649 {strides = array<i32>} : memref<32xi32, #tpu.memory_space<vmem>>, vector<16xi32>,
    %get3A_650 = arith.constant 0 : index
    %get3A_651 = tpu.vector_load %arg11[%get3A_650] {strides = array<i32>} : memref<32xi32, #tpu.memory_space<vmem>>, vector<16xi32>,
    %get3A_652 = vector.shape_cast %get3A_651 : vector<16xi32> to vector<16xi32>
    %slice3A_653 = vector.extract_strided_slice %get3A_652 {offsets = [0], sizes = [1], strides = [1]} : vector<16xi32> to vector<1xi32>
    %squeeze3A_654 = vector.extract %slice3A_653[0] : i32 from vector<1xi32>
    %swap3A_655 = arith.constant 0 : index
    %swap3A_656 = tpu.vector_load %arg11[%swap3A_655] {strides = array<i32>} : memref<32xi32, #tpu.memory_space<vmem>>, vector<16xi32>,
    %swap3A_657 = vector.shape_cast %swap3A_656 : vector<16xi32> to vector<16xi32>
    %swap3A_658 = vector.shape_cast %parallel_loop3A_548#2 : vector<16xi32> to vector<16xi32>
    tpu.vector_store %arg11[%swap3A_655], %swap3A_658 {strides = array<i32>} : memref<32xi32, #tpu.memory_space<vmem>>, vector<16xi32>,
    %get3A_659 = arith.constant 0 : index
    %get3A_660 = tpu.vector_load %arg11[%get3A_659] {strides = array<i32>} : memref<32xi32, #tpu.memory_space<vmem>>, vector<16xi32>,
    %get3A_661 = vector.shape_cast %get3A_660 : vector<16xi32> to vector<16xi32>
    %get3A_662 = arith.constant 8 : index
    %get3A_663 = tpu.vector_load %arg11[%get3A_662] {strides = array<i32>} : memref<32xi32, #tpu.memory_space<vmem>>, vector<16xi32>,
    %get3A_664 = vector.shape_cast %get3A_663 : vector<16xi32> to vector<16xi32>
    %min3A_665 = arith.minsi %get3A_661, %get3A_664 : vector<16xi32>
    %swap3A_666 = arith.constant 0 : index
    %swap3A_667 = tpu.vector_load %arg11[%swap3A_666] {strides = array<i32>} : memref<32xi32, #tpu.memory_space<vmem>>, vector<16xi32>,
    %swap3A_668 = vector.shape_cast %swap3A_667 : vector<16xi32> to vector<16xi32>
    %swap3A_669 = vector.shape_cast %min3A_665 : vector<16xi32> to vector<16xi32>
    tpu.vector_store %arg11[%swap3A_666], %swap3A_669 {strides = array<i32>} : memref<32xi32, #tpu.memory_space<vmem>>, vector<16xi32>,
    %get3A_670 = arith.constant 0 : index
    %get3A_671 = tpu.vector_load %arg11[%get3A_670] {strides = array<i32>} : memref<32xi32, #tpu.memory_space<vmem>>, vector<16xi32>,
    %get3A_672 = vector.shape_cast %get3A_671 : vector<16xi32> to vector<16xi32>
    %get3A_673 = arith.constant 4 : index
    %get3A_674 = tpu.vector_load %arg11[%get3A_673] {strides = array<i32>} : memref<32xi32, #tpu.memory_space<vmem>>, vector<16xi32>,
    %get3A_675 = vector.shape_cast %get3A_674 : vector<16xi32> to vector<16xi32>
    %min3A_676 = arith.minsi %get3A_672, %get3A_675 : vector<16xi32>
    %swap3A_677 = arith.constant 0 : index
    %swap3A_678 = tpu.vector_load %arg11[%swap3A_677] {strides = array<i32>} : memref<32xi32, #tpu.memory_space<vmem>>, vector<16xi32>,
    %swap3A_679 = vector.shape_cast %swap3A_678 : vector<16xi32> to vector<16xi32>
    %swap3A_680 = vector.shape_cast %min3A_676 : vector<16xi32> to vector<16xi32>
    tpu.vector_store %arg11[%swap3A_677], %swap3A_680 {strides = array<i32>} : memref<32xi32, #tpu.memory_space<vmem>>, vector<16xi32>,
    %get3A_681 = arith.constant 0 : index
    %get3A_682 = tpu.vector_load %arg11[%get3A_681] {strides = array<i32>} : memref<32xi32, #tpu.memory_space<vmem>>, vector<16xi32>,
    %get3A_683 = vector.shape_cast %get3A_682 : vector<16xi32> to vector<16xi32>
    %get3A_684 = arith.constant 2 : index
    %get3A_685 = tpu.vector_load %arg11[%get3A_684] {strides = array<i32>} : memref<32xi32, #tpu.memory_space<vmem>>, vector<16xi32>,
    %get3A_686 = vector.shape_cast %get3A_685 : vector<16xi32> to vector<16xi32>
    %min3A_687 = arith.minsi %get3A_683, %get3A_686 : vector<16xi32>
    %swap3A_688 = arith.constant 0 : index
    %swap3A_689 = tpu.vector_load %arg11[%swap3A_688] {strides = array<i32>} : memref<32xi32, #tpu.memory_space<vmem>>, vector<16xi32>,
    %swap3A_690 = vector.shape_cast %swap3A_689 : vector<16xi32> to vector<16xi32>
    %swap3A_691 = vector.shape_cast %min3A_687 : vector<16xi32> to vector<16xi32>
    tpu.vector_store %arg11[%swap3A_688], %swap3A_691 {strides = array<i32>} : memref<32xi32, #tpu.memory_space<vmem>>, vector<16xi32>,
    %get3A_692 = arith.constant 0 : index
    %get3A_693 = tpu.vector_load %arg11[%get3A_692] {strides = array<i32>} : memref<32xi32, #tpu.memory_space<vmem>>, vector<16xi32>,
    %get3A_694 = vector.shape_cast %get3A_693 : vector<16xi32> to vector<16xi32>
    %get3A_695 = arith.constant 1 : index
    %get3A_696 = tpu.vector_load %arg11[%get3A_695] {strides = array<i32>} : memref<32xi32, #tpu.memory_space<vmem>>, vector<16xi32>,
    %get3A_697 = vector.shape_cast %get3A_696 : vector<16xi32> to vector<16xi32>
    %min3A_698 = arith.minsi %get3A_694, %get3A_697 : vector<16xi32>
    %swap3A_699 = arith.constant 0 : index
    %swap3A_700 = tpu.vector_load %arg11[%swap3A_699] {strides = array<i32>} : memref<32xi32, #tpu.memory_space<vmem>>, vector<16xi32>,
    %swap3A_701 = vector.shape_cast %swap3A_700 : vector<16xi32> to vector<16xi32>
    %swap3A_702 = vector.shape_cast %min3A_698 : vector<16xi32> to vector<16xi32>
    tpu.vector_store %arg11[%swap3A_699], %swap3A_702 {strides = array<i32>} : memref<32xi32, #tpu.memory_space<vmem>>, vector<16xi32>,
    %get3A_703 = arith.constant 0 : index
    %get3A_704 = tpu.vector_load %arg11[%get3A_703] {strides = array<i32>} : memref<32xi32, #tpu.memory_space<vmem>>, vector<16xi32>,
    %get3A_705 = vector.shape_cast %get3A_704 : vector<16xi32> to vector<16xi32>
    %slice3A_706 = vector.extract_strided_slice %get3A_705 {offsets = [0], sizes = [1], strides = [1]} : vector<16xi32> to vector<1xi32>
    %squeeze3A_707 = vector.extract %slice3A_706[0] : i32 from vector<1xi32>
    %sub3A_708 = arith.constant 3 : i32
    %sub3A_709 = arith.subi %squeeze3A_427, %sub3A_708 : i32
    %le3A_710 = arith.cmpi sle, %squeeze3A_542, %sub3A_709 : i32
    %jit3A_711 = arith.constant 134217728 : i32
    %select_n3A_712 = arith.select %le3A_710, %squeeze3A_542, %jit3A_711 : i32
    %sub3A_713 = arith.constant 4 : i32
    %sub3A_714 = arith.subi %squeeze3A_427, %sub3A_713 : i32
    %le3A_715 = arith.cmpi sle, %squeeze3A_601, %sub3A_714 : i32
    %jit3A_716 = arith.constant 134217728 : i32
    %select_n3A_717 = arith.select %le3A_715, %squeeze3A_601, %jit3A_716 : i32
    %sub3A_718 = arith.constant 5 : i32
    %sub3A_719 = arith.subi %squeeze3A_427, %sub3A_718 : i32
    %le3A_720 = arith.cmpi sle, %squeeze3A_654, %sub3A_719 : i32
    %jit3A_721 = arith.constant 134217728 : i32
    %select_n3A_722 = arith.select %le3A_720, %squeeze3A_654, %jit3A_721 : i32
    %sub3A_723 = arith.constant 6 : i32
    %sub3A_724 = arith.subi %squeeze3A_427, %sub3A_723 : i32
    %le3A_725 = arith.cmpi sle, %squeeze3A_707, %sub3A_724 : i32
    %jit3A_726 = arith.constant 134217728 : i32
    %select_n3A_727 = arith.select %le3A_725, %squeeze3A_707, %jit3A_726 : i32
    %lt3A_728 = arith.constant 134217728 : i32
    %lt3A_729 = arith.cmpi slt, %select_n3A_727, %lt3A_728 : i32
    %lt3A_730 = arith.constant 134217728 : i32
    %lt3A_731 = arith.cmpi slt, %select_n3A_722, %lt3A_730 : i32
    %lt3A_732 = arith.constant 134217728 : i32
    %lt3A_733 = arith.cmpi slt, %select_n3A_717, %lt3A_732 : i32
    %select_n3A_734 = arith.select %lt3A_733, %select_n3A_717, %select_n3A_712 : i32
    %select_n3A_735 = arith.select %lt3A_731, %select_n3A_722, %select_n3A_734 : i32
    %select_n3A_736 = arith.select %lt3A_729, %select_n3A_727, %select_n3A_735 : i32
    %lt3A_737 = arith.constant 134217728 : i32
    %lt3A_738 = arith.cmpi slt, %select_n3A_727, %lt3A_737 : i32
    %lt3A_739 = arith.constant 134217728 : i32
    %lt3A_740 = arith.cmpi slt, %select_n3A_722, %lt3A_739 : i32
    %lt3A_741 = arith.constant 134217728 : i32
    %lt3A_742 = arith.cmpi slt, %select_n3A_717, %lt3A_741 : i32
    %jit3A_743 = arith.constant 3 : i32
    %jit3A_744 = arith.constant 2 : i32
    %select_n3A_745 = arith.select %lt3A_742, %jit3A_743, %jit3A_744 : i32
    %jit3A_746 = arith.constant 4 : i32
    %select_n3A_747 = arith.select %lt3A_740, %jit3A_746, %select_n3A_745 : i32
    %jit3A_748 = arith.constant 5 : i32
    %select_n3A_749 = arith.select %lt3A_738, %jit3A_748, %select_n3A_747 : i32
    %lt3A_750 = arith.constant 134217728 : i32
    %lt3A_751 = arith.cmpi slt, %select_n3A_736, %lt3A_750 : i32
    %add3A_752 = arith.addi %select_n3A_736, %select_n3A_749 : i32
    %jit3A_753 = arith.constant 0 : i32
    %select_n3A_754 = arith.select %lt3A_751, %add3A_752, %jit3A_753 : i32
    %get3A_755 = arith.index_cast %select_n3A_754 : i32 to index
    %get3A_756 = tpu.vector_load %arg7[%get3A_755] {strides = array<i32>} : memref<8224xi32, #tpu.memory_space<vmem>>, vector<16xi32>,
    %get3A_757 = vector.shape_cast %get3A_756 : vector<16xi32> to vector<16xi32>
    %sub3A_758 = arith.subi %squeeze3A_427, %select_n3A_754 : i32
    %min3A_759 = arith.constant 8 : i32
    %min3A_760 = arith.minsi %sub3A_758, %min3A_759 : i32
    %jit3A_761 = arith.constant 0 : i32
    %select_n3A_762 = arith.select %lt3A_751, %min3A_760, %jit3A_761 : i32
    %broadcast_in_dim3A_763 = vector.broadcast %select_n3A_762 : i32 to vector<16xi32>
    %sub3A_764 = arith.subi %broadcast_in_dim3A_763, %iota3A_428 : vector<16xi32>
    %max3A_765 = arith.maxsi %sub3A_764, %broadcast_in_dim3A_432 : vector<16xi32>
    %min3A_766 = arith.minsi %max3A_765, %broadcast_in_dim3A_430 : vector<16xi32>
    %neg3A_767 = arith.constant 0 : i32
    %neg3A_768 = vector.broadcast %neg3A_767 : i32 to vector<16xi32>
    %neg3A_769 = arith.subi %neg3A_768, %min3A_766 : vector<16xi32>
    %and3A_770 = arith.andi %get3A_757, %neg3A_769 : vector<16xi32>
    %not3A_771 = arith.constant dense<-1> : vector<16xi32>
    %not3A_772 = arith.xori %neg3A_769, %not3A_771 : vector<16xi32>
    %or3A_773 = arith.ori %and3A_770, %not3A_772 : vector<16xi32>
    %xor3A_774 = arith.constant 8 : i32
    %xor3A_775 = vector.broadcast %xor3A_774 : i32 to vector<16xi32>
    %xor3A_776 = arith.xori %iota3A_428, %xor3A_775 : vector<16xi32>
    %min3A_777 = arith.minsi %xor3A_776, %broadcast_in_dim3A_430 : vector<16xi32>
    %sub3A_778 = arith.subi %min3A_777, %broadcast_in_dim3A_430 : vector<16xi32>
    %jit3A_779 = arith.constant 0 : i32
    %jit3A_780 = arith.constant 1 : i32
    %select_n3A_781 = arith.select %lt3A_751, %jit3A_779, %jit3A_780 : i32
    %not3A_782 = arith.constant dense<-1> : vector<16xi32>
    %not3A_783 = arith.xori %sub3A_778, %not3A_782 : vector<16xi32>
    %and3A_784 = arith.andi %or3A_773, %not3A_783 : vector<16xi32>
    %broadcast_in_dim3A_785 = vector.broadcast %select_n3A_781 : i32 to vector<16xi32>
    %and3A_786 = arith.andi %broadcast_in_dim3A_785, %sub3A_778 : vector<16xi32>
    %or3A_787 = arith.ori %and3A_784, %and3A_786 : vector<16xi32>
    %swap3A_788 = arith.constant 0 : index
    %swap3A_789 = tpu.vector_load %arg10[%swap3A_788] {strides = array<i32>} : memref<16xi32, #tpu.memory_space<vmem>>, vector<16xi32>,
    %swap3A_790 = vector.shape_cast %swap3A_789 : vector<16xi32> to vector<16xi32>
    %swap3A_791 = vector.shape_cast %or3A_787 : vector<16xi32> to vector<16xi32>
    tpu.vector_store %arg10[%swap3A_788], %swap3A_791 {strides = array<i32>} : memref<16xi32, #tpu.memory_space<vmem>>, vector<16xi32>,
    %dma_start3A_792 = arith.constant 0 : i32
    %dma_start3A_793 = tpu.memref_slice %arg5[%squeeze3A_10, %dma_start3A_792] : memref<64x16xi32, #tpu.memory_space<hbm>> -> memref<1x16xi32, #tpu.memory_space<hbm>>
    %dma_start3A_794 = tpu.memref_squeeze %dma_start3A_793 : memref<1x16xi32, #tpu.memory_space<hbm>> -> memref<16xi32, #tpu.memory_space<hbm>>
    %dma_start3A_795 = arith.constant 0 : i32
    %dma_start3A_796 = tpu.memref_slice %arg5[%squeeze3A_10, %dma_start3A_795] : memref<64x16xi32, #tpu.memory_space<hbm>> -> memref<1x16xi32, #tpu.memory_space<hbm>>
    %dma_start3A_797 = tpu.memref_squeeze %dma_start3A_796 : memref<1x16xi32, #tpu.memory_space<hbm>> -> memref<16xi32, #tpu.memory_space<hbm>>
    tpu.enqueue_dma source(%arg10 : memref<16xi32, #tpu.memory_space<vmem>>) target(%dma_start3A_797 : memref<16xi32, #tpu.memory_space<hbm>>) target_semaphore(%arg13 : memref<!tpu.dma_semaphore, #tpu.memory_space<semaphore_mem>>)
    %dma_wait3A_798 = arith.constant 0 : i32
    %dma_wait3A_799 = tpu.memref_slice %arg5[%squeeze3A, %dma_wait3A_798] : memref<64x16xi32, #tpu.memory_space<hbm>> -> memref<1x16xi32, #tpu.memory_space<hbm>>
    %dma_wait3A_800 = tpu.memref_squeeze %dma_wait3A_799 : memref<1x16xi32, #tpu.memory_space<hbm>> -> memref<16xi32, #tpu.memory_space<hbm>>
    %dma_wait3A_801 = arith.constant 0 : i32
    %dma_wait3A_802 = tpu.memref_slice %arg5[%squeeze3A, %dma_wait3A_801] : memref<64x16xi32, #tpu.memory_space<hbm>> -> memref<1x16xi32, #tpu.memory_space<hbm>>
    %dma_wait3A_803 = tpu.memref_squeeze %dma_wait3A_802 : memref<1x16xi32, #tpu.memory_space<hbm>> -> memref<16xi32, #tpu.memory_space<hbm>>
    tpu.wait_dma2 semaphore(%arg12 : memref<!tpu.dma_semaphore, #tpu.memory_space<semaphore_mem>>) src(%arg9 : memref<16xi32, #tpu.memory_space<vmem>>) dst(%dma_wait3A_803 : memref<16xi32, #tpu.memory_space<hbm>>)
    %dma_wait3A_804 = arith.constant 0 : i32
    %dma_wait3A_805 = tpu.memref_slice %arg5[%squeeze3A_10, %dma_wait3A_804] : memref<64x16xi32, #tpu.memory_space<hbm>> -> memref<1x16xi32, #tpu.memory_space<hbm>>
    %dma_wait3A_806 = tpu.memref_squeeze %dma_wait3A_805 : memref<1x16xi32, #tpu.memory_space<hbm>> -> memref<16xi32, #tpu.memory_space<hbm>>
    %dma_wait3A_807 = arith.constant 0 : i32
    %dma_wait3A_808 = tpu.memref_slice %arg5[%squeeze3A_10, %dma_wait3A_807] : memref<64x16xi32, #tpu.memory_space<hbm>> -> memref<1x16xi32, #tpu.memory_space<hbm>>
    %dma_wait3A_809 = tpu.memref_squeeze %dma_wait3A_808 : memref<1x16xi32, #tpu.memory_space<hbm>> -> memref<16xi32, #tpu.memory_space<hbm>>
    tpu.wait_dma2 semaphore(%arg13 : memref<!tpu.dma_semaphore, #tpu.memory_space<semaphore_mem>>) src(%arg10 : memref<16xi32, #tpu.memory_space<vmem>>) dst(%dma_wait3A_809 : memref<16xi32, #tpu.memory_space<hbm>>)
    return
  }
}

</mosaic_0001>

<sc_bundles>
// kernel: kernel.3.cloned.1.call-start
scs
__scs_entry_jumppad:
0x0: {  	(pc) =	sbr.rel $0x88, $3  }
0x1: {  	(tag) =	ssettag $0x0;
	lr =	simm.s32 $0x1  }
0x2: {  	[smem:$0x3F9E] =	sst lr;
	_ =	strace $0xD0000000  }
0x3: {  	_ = 	snop  }
0x4: {  	_ = 	snop  }
0x5: {  	_ = 	snop  }
0x6: {  	_ = 	snop  }
0x7: {  	_ = 	snop  }
__scs_overlays_trampoline_lowered:
0x8: {  	[smem:$0x3FAD] =	sst s0  }
0x9: {  	[smem:$0x3FAE] =	sst s1  }
0xa: {  	[smem:$0x3FAF] =	sst s2  }
0xb: {  	[smem:$0x3FB0] =	sst s3  }
0xc: {  	[smem:$0x3FB1] =	sst s4  }
0xd: {  	[smem:$0x3FB2] =	sst s5  }
0xe: {  	[smem:$0x3FB3] =	sst s6  }
0xf: {  	[smem:$0x3FB4] =	sst s7  }
0x10: {  	[smem:$0x3FB5] =	sst s8  }
0x11: {  	[smem:$0x3FB6] =	sst s9;
	s0 =	simm.s32 @!p0 $0x0  }
0x12: {  	s1 =	sld [smem:$0x3F9C];
	s0 =	simm.s32 @p0 $0x1  }
0x13: {  	[smem:$0x3FB7] =	sst s0;
	s0 =	simm.s32 @!p1 $0x0  }
0x14: {  	s2 =	sld [smem:$0x3F9B];
	s0 =	simm.s32 @p1 $0x1  }
0x15: {  	[smem:$0x3FB8] =	sst s0;
	s0 =	simm.s32 @!p2 $0x0  }
0x16: {  	s3 =	sld [smem:$0x3FDB];
	s0 =	simm.s32 @p2 $0x1  }
0x17: {  	s4 =	simm.s32 $0x1BF5;
	[smem:$0x3FBA] =	sst s0  }
0x18: {  	s0 =	sld [smem:$0x3F9D];
	_ =	swait.ge [sflag:s4], $0x0  }
0x19: {  	s7 =	sld [smem:$0x3F9E]  }
0x1a: {  	s8 =	sadd.s32 $0xFFFFE003, lr  }
0x1b: {  	s9 =	sadd.s32 $0xFFFFFEF7, lr;
	s5 =	simm.s32 $0xFFFFFFFF;
	p2 =	slt.u32 s8, $0xFFFFF086  }
0x1c: {  	p1 =	slt.u32 s9, $0xF7A;
	s5 =	simm.s32 @!p2 $0x0  }
0x1d: {  	s5 =	simm.s32 @p1 $0x1;
	p0 =	seq.s32 s7, s2  }
0x1e: {  	s7 =	smul.u32 @!p0 $0xF7A, s2;
	p2 =	seq.s32 @!p0 s5, $0x0  }
0x1f: {  	s9 =	smul.u32 $0xF7A, s1;
	s8 =	simm.s32 @!p0 $0x1BF5;
	p2 =	por !p2, p0  }
0x20: {  	[sflag:s8] =	ssyncset.s32 @!p0 $0xFFFFF086;
	s6 =	sadd.s32 @!p0 s3, s7;
	s7 =	simm.s32 @!p0 $0x108  }
0x21: {  	s3 =	sadd.s32 s3, s9;
	s6 =	sadd.s32 @!p0 $0x88, s6;
	s7 =	simm.s32 @p2 $0x1082  }
0x22: {  	[simem:s7], [sflag:s8] =	dma.local @!p0 [hbm:s6], $0xF7A  }
0x23: {  	s9 =	sor.u32 $0xD0000000, s2;
	s6 =	simm.s32 $0x108;
	_ =	swait.ge @!p0 [sflag:s8], $0x0  }
0x24: {  	s3 =	sadd.s32 $0x88, s3;
	s6 =	simm.s32 @!p1 $0x1082;
	[sflag:s4] =	ssyncset.s32 $0xFFFFF086  }
0x25: {  	[simem:s6], [sflag:s4] =	dma.local [hbm:s3], $0xF7A  }
0x26: {  	[smem:$0x3F9E] =	sst s1;
	(tag) =	ssettag s2;
	_ =	strace s9  }
0x27: {  	s1 =	sld [smem:$0x3FAE]  }
0x28: {  	s2 =	sld [smem:$0x3FAF]  }
0x29: {  	s4 =	sld [smem:$0x3FB1]  }
0x2a: {  	p0 =	seq.s32 s5, $0x0;
	s5 =	sld [smem:$0x3FB2]  }
0x2b: {  	s6 =	sld [smem:$0x3FB3]  }
0x2c: {  	s7 =	sld [smem:$0x3FB4]  }
0x2d: {  	s3 =	simm.s32 $0x108;
	s8 =	sld [smem:$0x3FB5]  }
0x2e: {  	s3 =	simm.s32 @!p0 $0x1082;
	s9 =	sld [smem:$0x3FB6]  }
0x2f: {  	lr =	sadd.s32 s0, s3;
	s0 =	sld [smem:$0x3FAD]  }
0x30: {  	s3 =	sld [smem:$0x3FB0]  }
0x31: {  	[smem:$0x3FB9] =	sst s10  }
0x32: {  	s10 =	sld [smem:$0x3FB7];
	_ =	sdelay $0x3  }
0x33: {  	p0 =	seq.s32 s10, $0x1;
	s10 =	sld [smem:$0x3FB9];
	_ =	sdelay $0x3  }
0x34: {  	[smem:$0x3FB9] =	sst s10  }
0x35: {  	s10 =	sld [smem:$0x3FB8];
	_ =	sdelay $0x3  }
0x36: {  	p1 =	seq.s32 s10, $0x1;
	s10 =	sld [smem:$0x3FB9];
	_ =	sdelay $0x3  }
0x37: {  	[smem:$0x3FB9] =	sst s10  }
0x38: {  	s10 =	sld [smem:$0x3FBA]  }
0x39: {  	_ = 	snop;
	(pc) =	sbr.ind lr, $3  }
0x3a: {  	_ = 	snop  }
0x3b: {  	_ = 	snop  }
0x3c: {  	p2 =	seq.s32 s10, $0x1;
	s10 =	sld [smem:$0x3FB9]  }
0x3d: {  	_ =	shalt  }
0x3e: {  	_ =	shalt  }
0x3f: {  	_ =	shalt  }
0x40: {  	_ =	shalt  }
0x41: {  	_ =	shalt  }
0x42: {  	_ =	shalt  }
0x43: {  	_ =	shalt  }
0x44: {  	_ =	shalt  }
0x45: {  	_ =	shalt  }
0x46: {  	_ =	shalt  }
0x47: {  	_ =	shalt  }
0x48: {  	_ =	shalt  }
0x49: {  	_ =	shalt  }
0x4a: {  	_ =	shalt  }
0x4b: {  	_ =	shalt  }
0x4c: {  	_ =	shalt  }
0x4d: {  	_ =	shalt  }
0x4e: {  	_ =	shalt  }
0x4f: {  	_ =	shalt  }
0x50: {  	_ =	shalt  }
0x51: {  	_ =	shalt  }
0x52: {  	_ =	shalt  }
0x53: {  	_ =	shalt  }
0x54: {  	_ =	shalt  }
0x55: {  	_ =	shalt  }
0x56: {  	_ =	shalt  }
0x57: {  	_ =	shalt  }
0x58: {  	_ =	shalt  }
0x59: {  	_ =	shalt  }
0x5a: {  	_ =	shalt  }
0x5b: {  	_ =	shalt  }
0x5c: {  	_ =	shalt  }
0x5d: {  	_ =	shalt  }
0x5e: {  	_ =	shalt  }
0x5f: {  	_ =	shalt  }
0x60: {  	_ =	shalt  }
0x61: {  	_ =	shalt  }
0x62: {  	_ =	shalt  }
0x63: {  	_ =	shalt  }
0x64: {  	_ =	shalt  }
0x65: {  	_ =	shalt  }
0x66: {  	_ =	shalt  }
0x67: {  	_ =	shalt  }
0x68: {  	_ =	shalt  }
0x69: {  	_ =	shalt  }
0x6a: {  	_ =	shalt  }
0x6b: {  	_ =	shalt  }
0x6c: {  	_ =	shalt  }
0x6d: {  	_ =	shalt  }
0x6e: {  	_ =	shalt  }
0x6f: {  	_ =	shalt  }
0x70: {  	_ =	shalt  }
0x71: {  	_ =	shalt  }
0x72: {  	_ =	shalt  }
0x73: {  	_ =	shalt  }
0x74: {  	_ =	shalt  }
0x75: {  	_ =	shalt  }
0x76: {  	_ =	shalt  }
0x77: {  	_ =	shalt  }
0x78: {  	_ =	shalt  }
0x79: {  	_ =	shalt  }
0x7a: {  	_ =	shalt  }
0x7b: {  	_ =	shalt  }
0x7c: {  	_ =	shalt  }
0x7d: {  	_ =	shalt  }
0x7e: {  	_ =	shalt  }
0x7f: {  	_ =	shalt  }
0x80: {  	_ =	shalt  }
0x81: {  	_ =	shalt  }
0x82: {  	_ =	shalt  }
0x83: {  	_ =	shalt  }
0x84: {  	_ =	shalt  }
0x85: {  	_ =	shalt  }
0x86: {  	_ =	shalt  }
0x87: {  	_ =	shalt  }
.Lfunc_end0:
.L_simem_size_0:
called_computation_lowered:
.L_overlay_start_0:
0x88: {  	s2 =	sld [smem:$0x3FD9]  }
0x89: {  	s3 =	sld [smem:$0x3FFE];
	_ =	sdelay $0x1  }
0x8a: {  	s1 =	srdreg.scid  }
0x8b: {  	s0 =	sand.u32 $0x1, s1  }
0x8c: {  	s14 =	sshll.u32 s0, $0xA;
	s2 =	sadd.s32 s3, s2  }
0x8d: {  	s2 =	sadd.s32 s2, s14  }
0x8e: {  	[smem:$0x3FC5] =	sst s2  }
0x8f: {  	_ = 	snop  }
0x90: {  	s2 =	sld [smem:$0x3FD0];
	_ =	sdelay $0x1  }
0x91: {  	s15 =	sld [smem:$0x3FC9]  }
0x92: {  	s5 =	simm.s32 $0xA;
	s6 =	simm.s32 $0x10;
	s4 =	sld [smem:$0x3FC8]  }
0x93: {  	[smem:s6], [sflag:s5] =	dma.local [hbm:s2], $0x1  }
0x94: {  	_ =	swait.eq [sflag:s5], $0x1  }
0x95: {  	[sflag:s5] =	ssyncset.done $0x0  }
0x96: {  	[sflag:s5] =	ssyncadd.s32 $0xFFFFFFFF  }
0x97: {  	s16 =	sld [smem:$0x10];
	(tm) =	ssettm $0x1  }
0x98: {  	s17 =	sld [smem:$0x3FFB];
	_ =	sdelay $0x3  }
0x99: {  	_ =	strace s17  }
0x9a: {  	s5 =	sld [smem:$0x3FFC];
	_ =	sdelay $0x3  }
0x9b: {  	_ =	strace s5  }
0x9c: {  	s5 =	sld [smem:$0x3FFD];
	_ =	sdelay $0x3  }
0x9d: {  	_ =	strace s5  }
0x9e: {  	_ =	strace $0x8FFFFFFF  }
0x9f: {  	s18 =	sld [smem:$0x3FDB];
	_ =	sdelay $0x1  }
0xa0: {  	s19 =	simm.s32 $_scs_section_size  }
0xa1: {  	s7 =	simm.s32 $_size__tile_overlayer_lowered;
	s8 =	simm.s32 $_tile_overlayer_lowered  }
0xa2: {  	s22 =	simm.s32 $0x1BFF;
	s21 =	sshll.u32 s8, $0x1;
	s5 =	sadd.s32 s19, s18  }
0xa3: {  	s9 =	simm.s32 $0x0;
	s20 =	sshll.u32 s7, $0x1;
	s7 =	sadd.s32 s21, s5  }
0xa4: {  	[timem:s9], [sflag:s22] =	dma.local [hbm:s7], s20  }
0xa5: {  	_ =	swait.ge [sflag:s22], s20  }
0xa6: {  	s6 =	ssub.s32 $0x0, s20;
	[sflag:s22] =	ssyncset.done $0x0  }
0xa7: {  	[sflag:s22] =	ssyncadd.s32 s6;
	_ =	sdelay $0x1  }
0xa8: {  	s23 =	simm.s32 $0x1B8B  }
0xa9: {  	_ =	swait.ge [sflag:s23], $0x1  }
0xaa: {  	[sflag:s23] =	ssyncset.done $0x0  }
0xab: {  	s25 =	simm.s32 $0x1B8E;
	s24 =	sld [smem:$0x3FFE];
	[sflag:s23] =	ssyncadd.s32 $0xFFFFFFFF  }
0xac: {  	s26 =	simm.s32 $execute0_lowered;
	[smem:$0x3FD2] =	sst s25  }
0xad: {  	s7 =	sshll.u32 s26, $0x1;
	_ =	strace $0x80000046;
	[dreg:$0x1] =	wrdreg $0xFFFFFFFF  }
0xae: {  	s28 =	simm.s32 $_size_execute0_lowered;
	s5 =	sadd.s32 s5, s7;
	[dreg:$0x0] =	wrdreg $0x0  }
0xaf: {  	s7 =	sshll.u32 s28, $0x1;
	[dreg:$0x2] =	wrdreg s5  }
0xb0: {  	[dreg:$0x3] =	wrdreg s7  }
0xb1: {  	[dreg:$0x4] =	wrdreg $0xC0  }
0xb2: {  	_ =	task [dreg:s9], $0x5FFFF  }
0xb3: {  	[dreg:$0x1] =	wrdreg $0xFFFFFFFF  }
0xb4: {  	[dreg:$0x0] =	wrdreg $0x60  }
0xb5: {  	[dreg:$0x2] =	wrdreg s15  }
0xb6: {  	[dreg:$0x3] =	wrdreg s16  }
0xb7: {  	[dreg:$0x4] =	wrdreg s4  }
0xb8: {  	[dreg:$0x5] =	wrdreg s24  }
0xb9: {  	[dreg:$0x6] =	wrdreg $0x9  }
0xba: {  	_ =	task.clear_ibuf [dreg:s9], $0x7FFFF;
	_ =	strace $0x90000046  }
0xbb: {  	s29 =	simm.s32 $0x9;
	_ =	strace $0x80000048  }
0xbc: {  	_ =	swait.ge [sflag:s29], $0x1  }
0xbd: {  	[sflag:s29] =	ssyncadd.s32 $0xFFFFFFFF  }
0xbe: {  	_ =	strace $0x90000048  }
0xbf: {  	_ =	sfence  }
0xc0: {  	s30 =	sld [smem:$0x0];
	_ =	sdelay $0x2  }
0xc1: {  	s31 =	sshll.u32 s1, $0xD;
	s1 =	sshrl.u32 s1, $0x2  }
0xc2: {  	s3 =	sand.u32 $0x4000, s31;
	s1 =	sadd.s32 s1, s30  }
0xc3: {  	s0 =	sor.u32 s3, s0;
	s1 =	sshll.u32 s1, $0x11  }
0xc4: {  	s0 =	sor.u32 s1, s0  }
0xc5: {  	s0 =	sadd.s32 $0x8F2B, s0  }
0xc6: {  	[sflag:s0] =	ssyncadd.remote.s32 $0x1  }
0xc7: {  	_ =	sfence.sel $0xFFFF  }
0xc8: {  	[dreg:$0x0] =	wrdreg $0xFFFFFFFF;
	(pc) =	sbr.abs _section_cstart, $3  }
0xc9: {  	[dreg:$0x1] =	wrdreg $0xFFFFFFFF  }
0xca: {  	_ =	task.clear_ibuf [dreg:s9], $0x2FFFF;
	_ =	strace $0x9FFFFFFF  }
0xcb: {  	(tm) =	ssettm $0x7FFFFFFF  }
tec
execute0_lowered:
.L_overlay_start_1:
0x0: {  	(tag) =	ssettag $0x1  }
0x1: {  	s1 =	rddreg [dreg:$0x0]  }
0x2: {  	s2 =	rddreg [dreg:$0x1]  }
0x3: {  	s4 =	rddreg [dreg:$0x2]  }
0x4: {  	s5 =	rddreg [dreg:$0x3];
	s0 =	srdreg.scid  }
0x5: {  	s3 =	stileid.u32;
	s6 =	simm.s32 $0x0;
	s10 =	simm.s32 $0x4140  }
0x6: {  	s11 =	simm.s32 $0x3;
	s12 =	simm.s32 $0x80;
	s13 =	simm.s32 $0x400  }
0x7: {  	s14 =	simm.s32 $0x2080;
	s15 =	simm.s32 $0x4100;
	s16 =	simm.s32 $0x1  }
.Ltmp0:
0x8: {  	s17 =	simm.s32 $0x4200;
	s0 =	sand.u32 $0x1, s0;
	(pc) =	sbr.rel .LBB2_1-.Ltmp0, $4  }
0x9: {  	s18 =	simm.s32 $0x2;
	s19 =	simm.s32 $0x4280;
	s8 =	ssub.s32 $0x2, s0  }
0xa: {  	v0 =	vimm.s32 $0x0;
	s20 =	simm.s32 $0x0;
	s7 =	sshll.u32 s3, $0x1;
	s9 =	sshrl.u32 s8, $0x1  }
0xb: {  	v1 =	vlaneseq.u32;
	vm0 =	vcmask $0x2320;
	v3 =	vimm.s32 $0xFFFFFFFF;
	[smem:$0x7FF] =	sst s6;
	s7 =	sor.u32 s0, s7;
	s31 =	ssub.s32 s8, s9  }
0xc: {  	v2 =	vmul.u32 $0xFFFFFFFF, v1;
	v3 =	vsel vm0, $0x0, v3;
	v4 =	vsel vm0, $0xFFFFFFFF, v0;
	_ =	strace $0x80000047;
	s8 =	sxor.u32 $0x7F, s7;
	s9 =	smax.u32 s31, $0x1  }
.LBB2_28:
0xd: {  	v5 =	vor.u32 v14, v17;
	v6 =	vor.u32 v15, v18;
	v8 =	vor.u32 v16, v19  }
0xe: {  	vm0 =	vlt.s32 v5, $0x1;
	vm1 =	vlt.s32 v6, $0x1;
	vm2 =	vlt.s32 v8, $0x1  }
0xf: {  	v5 =	vnsel vm0, $0x1, v5;
	v6 =	vnsel vm1, $0x1, v6;
	v8 =	vnsel vm2, $0x1, v8  }
0x10: {  	v5 =	vshll.u32 v5, $0x1B;
	v6 =	vshll.u32 v6, $0x1B;
	v8 =	vshll.u32 v8, $0x1B  }
0x11: {  	v5 =	vadd.s32 v9, v5;
	v6 =	vadd.s32 v9, v6;
	v9 =	vadd.s32 v9, v8  }
0x12: {  	vm13 =	vlt.s32 v7, v5;
	vm14 =	vlt.s32 v12, v6;
	vm15 =	vlt.s32 v13, v9  }
0x13: {  	v8 =	vsel vm13, v7, v5;
	v10 =	vsel vm14, v12, v6;
	v9 =	vsel vm15, v13, v9  }
.LBB2_29:
0x14: {  	[tilespmem:$0x4300] =	vst v8  }
0x15: {  	v5 =	vld [tilespmem:$0x4308];
	_ =	sdelay $0x4  }
0x16: {  	vm0 =	vlt.s32 v8, v5  }
0x17: {  	v5 =	vsel vm0, v8, v5  }
0x18: {  	[tilespmem:$0x4300] =	vst v5  }
0x19: {  	v6 =	vld [tilespmem:$0x4304];
	_ =	sdelay $0x4  }
0x1a: {  	vm0 =	vlt.s32 v5, v6  }
0x1b: {  	v5 =	vsel vm0, v5, v6  }
0x1c: {  	[tilespmem:$0x4300] =	vst v5  }
0x1d: {  	v6 =	vld [tilespmem:$0x4302];
	_ =	sdelay $0x4  }
0x1e: {  	vm0 =	vlt.s32 v5, v6  }
0x1f: {  	v5 =	vsel vm0, v5, v6  }
0x20: {  	[tilespmem:$0x4300] =	vst v5  }
0x21: {  	v6 =	vld [tilespmem:$0x4301];
	[tilespmem:$0x4300] =	vst v10  }
0x22: {  	v7 =	vld [tilespmem:$0x4308];
	_ =	sdelay $0x4  }
0x23: {  	vm10 =	vlt.s32 v10, v7  }
0x24: {  	v7 =	vsel vm10, v10, v7  }
0x25: {  	[tilespmem:$0x4300] =	vst v7  }
0x26: {  	v57 =	vld [tilespmem:$0x4304];
	_ =	sdelay $0x4  }
0x27: {  	vm0 =	vlt.s32 v7, v57  }
0x28: {  	v7 =	vsel vm0, v7, v57  }
0x29: {  	[tilespmem:$0x4300] =	vst v7  }
0x2a: {  	v58 =	vld [tilespmem:$0x4302];
	_ =	sdelay $0x4  }
0x2b: {  	vm0 =	vlt.s32 v7, v58  }
0x2c: {  	v7 =	vsel vm0, v7, v58  }
0x2d: {  	[tilespmem:$0x4300] =	vst v7  }
0x2e: {  	v59 =	vld [tilespmem:$0x4301];
	[tilespmem:$0x4300] =	vst v9  }
0x2f: {  	v60 =	vld [tilespmem:$0x4308];
	_ =	sdelay $0x4  }
0x30: {  	vm11 =	vlt.s32 v9, v60  }
0x31: {  	v9 =	vsel vm11, v9, v60  }
0x32: {  	[tilespmem:$0x4300] =	vst v9  }
0x33: {  	v61 =	vld [tilespmem:$0x4304];
	_ =	sdelay $0x4  }
0x34: {  	vm0 =	vlt.s32 v9, v61  }
0x35: {  	v9 =	vsel vm0, v9, v61  }
0x36: {  	[tilespmem:$0x4300] =	vst v9  }
0x37: {  	v62 =	vld [tilespmem:$0x4302];
	_ =	sdelay $0x4  }
0x38: {  	vm0 =	vlt.s32 v9, v62  }
0x39: {  	v9 =	vsel vm0, v9, v62  }
0x3a: {  	[tilespmem:$0x4300] =	vst v9  }
0x3b: {  	v63 =	vld [tilespmem:$0x4301];
	_ =	sdelay $0x2  }
0x3c: {  	vm12 =	vlt.s32 v5, v6  }
0x3d: {  	v5 =	vsel vm12, v5, v6;
	vm13 =	vlt.s32 v7, v59  }
0x3e: {  	(v2sf) =	vpush v5, $0x0;
	v5 =	vsel vm13, v7, v59;
	vm14 =	vlt.s32 v9, v63  }
0x3f: {  	(v2sf) =	vpush v5, $0x0;
	v5 =	vsel vm14, v9, v63  }
0x40: {  	(v2sf) =	vpush v5, $0x0;
	_ =	sdelay $0xb  }
0x41: {  	s3 =	sadd.s32 $0xFFFFFFFD, s23;
	s26 =	sadd.s32 $0xFFFFFFFB, s23  }
0x42: {  	s28 =	sadd.s32 $0xFFFFFFFC, s23;
	p0 =	sgt.s32 s25, s3;
	s0 =	spop (v2sf)  }
0x43: {  	s25 =	simm.s32 @p0 $0x8000000;
	p0 =	sgt.s32 s0, s28;
	s24 =	spop (v2sf)  }
0x44: {  	s29 =	sadd.s32 $0xFFFFFFFA, s23;
	s0 =	simm.s32 @p0 $0x8000000;
	s3 =	spop (v2sf)  }
0x45: {  	p1 =	sgt.s32 s24, s26;
	s26 =	simm.s32 $0x3;
	p0 =	sgt.s32 s3, s29  }
0x46: {  	s24 =	simm.s32 @p1 $0x8000000;
	s3 =	simm.s32 @p0 $0x8000000;
	p0 =	slt.s32 s0, $0x8000000  }
0x47: {  	p1 =	slt.s32 s24, $0x8000000;
	s25 =	smov.u32 @p0 s0;
	s26 =	simm.s32 @!p0 $0x2  }
0x48: {  	p0 =	slt.s32 s3, $0x8000000;
	s25 =	smov.u32 @p1 s24;
	s26 =	simm.s32 @p1 $0x4  }
0x49: {  	s25 =	smov.u32 @p0 s3;
	s26 =	simm.s32 @p0 $0x5  }
0x4a: {  	p0 =	slt.s32 s25, $0x8000000;
	s0 =	sadd.s32 s26, s25  }
0x4b: {  	[tilespmem:$0x4300] =	vst v5;
	s0 =	simm.s32 @!p0 $0x0  }
0x4c: {  	v5 =	vld [tilespmem:s0+$0x2080];
	s0 =	ssub.s32 s23, s0  }
0x4d: {  	p1 =	slt.s32 s0, $0x8  }
0x4e: {  	s0 =	simm.s32 @!p1 $0x8  }
0x4f: {  	s0 =	simm.s32 @!p0 $0x0  }
0x50: {  	p0 =	sgt.s32 s25, $0x7FFFFFF;
	v6 =	vadd.s32 s0, v2;
	s0 =	simm.s32 $0x1  }
0x51: {  	s30 =	sshll.u32 s22, $0xA;
	vm15 =	vlt.s32 v6, $0x1;
	s0 =	simm.s32 @!p0 $0x0;
	v5 =	vand.u32 v3, v5  }
0x52: {  	s31 =	sor.u32 s21, s30;
	v5 =	vsel vm15, v3, v5;
	v6 =	vand.u32 s0, v4  }
0x53: {  	s0 =	sshrl.u32 s31, $0x3;
	v5 =	vor.u32 v6, v5  }
0x54: {  	s20 =	sadd.s32 $0x1, s20;
	s0 =	sadd.s32 s5, s0;
	[tilespmem:$0x4280] =	vst v5  }
0x55: {  	[hbm4b:s0+s6] =	stream.linear.scatter [tilespmem:s19], [sflag:$0x2], $0x80, $0x38;
	[tilespmem:$0x4380] =	vst v63  }
0x56: {  	p0 =	sne.s32 s20, s9;
	_ =	swait.ge [sflag:s16], $0x80  }
.Ltmp1:
0x57: {  	[sflag:s16] =	ssyncset.done $0x0;
	(pc) =	sbr.rel @!p0 .LBB2_30-.Ltmp1, $4  }
0x58: {  	[sflag:s16] =	ssyncadd.s32 $0xFFFFFF80  }
0x59: {  	_ =	swait.ge [sflag:s18], $0x80  }
0x5a: {  	[sflag:s18] =	ssyncset.done $0x0  }
0x5b: {  	[sflag:s18] =	ssyncadd.s32 $0xFFFFFF80  }
.LBB2_1:
0x5c: {  	[tilespmem:s10], [sflag:$0x3] =	stream.linear.gather [hbm4b:s2+s6], $0x40, $0x38;
	[tilespmem:$0x4380] =	vst v63  }
0x5d: {  	_ =	swait.ge [sflag:s11], $0x40  }
0x5e: {  	[sflag:s11] =	ssyncset.done $0x0  }
0x5f: {  	[sflag:s11] =	ssyncadd.s32 $0xFFFFFFC0  }
0x60: {  	v5 =	vld [tilespmem:s7+$0x4140];
	_ =	sdelay $0x4  }
0x61: {  	(v2sf) =	vpush v5, $0x0;
	v5 =	vld [tilespmem:s8+$0x4100];
	_ =	sdelay $0x4  }
0x62: {  	(v2sf) =	vpush v5, $0x0;
	_ =	sdelay $0x9  }
0x63: {  	s0 =	spop (v2sf)  }
0x64: {  	s25 =	sshrl.u32 s0, $0x3;
	s21 =	sshll.u32 s0, $0x7  }
0x65: {  	s24 =	sand.u32 $0x380, s21;
	s29 =	sshll.u32 s25, $0x10  }
0x66: {  	s21 =	sor.u32 s24, s29  }
0x67: {  	s21 =	sshrl.u32 s21, $0x3  }
0x68: {  	s23 =	spop (v2sf);
	s21 =	sadd.s32 s4, s21  }
0x69: {  	[tilespmem:s6], [sflag:$0x1] =	stream.strided.gather [hbm4b:s21+s12], $0x2000, s13, s12, $0x38;
	[tilespmem:$0x4380] =	vst v63  }
0x6a: {  	s22 =	sshrl.u32 s23, $0x3;
	s30 =	sshll.u32 s23, $0x7  }
0x6b: {  	s21 =	sand.u32 $0x380, s30;
	s26 =	sshll.u32 s22, $0x10  }
0x6c: {  	s26 =	sor.u32 s21, s26  }
0x6d: {  	s26 =	sshrl.u32 s26, $0x3  }
0x6e: {  	s26 =	sadd.s32 s4, s26  }
0x6f: {  	[tilespmem:s14], [sflag:$0x2] =	stream.strided.gather [hbm4b:s26+s12], $0x2000, s13, s12, $0x38;
	[tilespmem:$0x4380] =	vst v63  }
0x70: {  	_ = 	snop  }
0x71: {  	[tilespmem:s15], [sflag:$0x3] =	stream.linear.gather [hbm4b:s1+s6], $0x40, $0x38;
	[tilespmem:$0x4380] =	vst v63  }
0x72: {  	_ =	swait.ge [sflag:s11], $0x40  }
0x73: {  	[sflag:s11] =	ssyncset.done $0x0  }
0x74: {  	[sflag:s11] =	ssyncadd.s32 $0xFFFFFFC0  }
0x75: {  	[tilespmem:$0x2000] =	vst v0  }
0x76: {  	[tilespmem:$0x2010] =	vst v0  }
0x77: {  	[tilespmem:$0x4080] =	vst v0  }
0x78: {  	[tilespmem:$0x4090] =	vst v0  }
0x79: {  	_ =	swait.ge [sflag:s16], $0x2000  }
0x7a: {  	[sflag:s16] =	ssyncset.done $0x0  }
0x7b: {  	[sflag:s16] =	ssyncadd.s32 $0xFFFFE000  }
0x7c: {  	v5 =	vld [tilespmem:s0+$0x4100];
	_ =	sdelay $0x4  }
0x7d: {  	(v2sf) =	vpush v5, $0x0;
	_ =	sdelay $0xe  }
0x7e: {  	s26 =	spop (v2sf)  }
0x7f: {  	s31 =	sadd.s32 $0xD, s26  }
0x80: {  	s28 =	sand.u32 $0xF, s31  }
0x81: {  	p1 =	slt.s32 s31, $0x1;
	p0 =	sne.s32 s28, $0x0;
	s28 =	sshra.s32 s31, $0x1F  }
0x82: {  	s28 =	sshrl.u32 s28, $0x1C;
	p0 =	por !p1, !p0  }
0x83: {  	s0 =	sadd.s32 s28, s31;
	p0 =	por !p0, !p0;
	s28 =	simm.s32 $0x1  }
0x84: {  	s0 =	sshrl.u32 s0, $0x4;
	s28 =	simm.s32 @!p0 $0x0  }
0x85: {  	s0 =	ssub.s32 s0, s28  }
0x86: {  	s28 =	sshll.u32 s0, $0x4  }
0x87: {  	v7 =	vld [tilespmem:s26+$0xFFFFFFFB];
	p0 =	slt.s32 s28, $0x1  }
.Ltmp2:
0x88: {  	_ = 	snop;
	(pc) =	sbr.rel @p0 .LBB2_11-.Ltmp2, $3  }
0x89: {  	_ =	sdelay $0x1  }
0x8a: {  	v8 =	vimm.s32 $0x8000000  }
0x8b: {  	v9 =	vimm.s32 $0x8000000;
	v5 =	vbroadcast v7, $0x3;
	v6 =	vbroadcast v7, $0x4  }
0x8c: {  	p2 =	sgt.s32 s28, $0x10  }
.Ltmp3:
0x8d: {  	_ = 	snop;
	(pc) =	sbr.rel @!p2 .LBB2_3-.Ltmp3, $3  }
0x8e: {  	_ =	sdelay $0x1  }
0x8f: {  	v12 =	vld [tilespmem:s16+$0xFFFFFFFF]  }
0x90: {  	s29 =	simm.s32 $0x10;
	v9 =	vld [tilespmem:s16+$0x0];
	p0 =	por $0x0, $0x0;
	p1 =	por $0x0, $0x0  }
0x91: {  	p2 =	sgt.s32 s28, $0x20  }
.Ltmp4:
0x92: {  	_ = 	snop;
	(pc) =	sbr.rel @!p2 .LBB2_5-.Ltmp4, $4  }
0x93: {  	_ = 	snop  }
0x94: {  	s0 =	simm.s32 $0x11  }
0x95: {  	v14 =	vld [tilespmem:s0+$0xFFFFFFFF];
	v10 =	vxor.u32 v5, v12;
	v11 =	vxor.u32 v6, v9  }
0x96: {  	s30 =	simm.s32 $0x20;
	p0 =	por $0x1, $0x1;
	v9 =	vld [tilespmem:s0+$0x0];
	v11 =	vor.u32 v10, v11  }
0x97: {  	vm0 =	vlt.s32 v11, $0x1;
	p2 =	sgt.s32 s28, $0x30  }
.Ltmp5:
0x98: {  	v10 =	vnsel vm0, $0x1, v11;
	(pc) =	sbr.rel @!p2 .LBB2_7-.Ltmp5, $4  }
0x99: {  	v10 =	vshll.u32 v10, $0x1B  }
0x9a: {  	s31 =	simm.s32 $0x21;
	v10 =	vadd.s32 s6, v10  }
0x9b: {  	v12 =	vld [tilespmem:s31+$0xFFFFFFFF];
	v11 =	vxor.u32 v5, v14;
	v14 =	vxor.u32 v6, v9;
	v13 =	vadd.s32 v1, v10  }
0x9c: {  	s0 =	simm.s32 $0x30;
	p1 =	por $0x1, $0x1;
	v9 =	vld [tilespmem:s31+$0x0];
	v10 =	vimm.s32 $0x8000000;
	v11 =	vor.u32 v11, v14;
	vm0 =	vlt.s32 v8, v13  }
.LBB2_8:
0x9d: {  	s3 =	smov.u32 s0;
	s0 =	sadd.s32 $0x10, s0  }
0x9e: {  	vm1 =	vlt.s32 v11, $0x1;
	v10 =	vsel vm0, v10, v13;
	p2 =	slt.s32 s0, s28  }
.Ltmp6:
0x9f: {  	v11 =	vnsel vm1, $0x1, v11;
	(pc) =	sbr.rel @p2 .LBB2_8-.Ltmp6, $4  }
0xa0: {  	v11 =	vshll.u32 v11, $0x1B  }
0xa1: {  	s31 =	sadd.s32 $0x10, s31;
	v11 =	vadd.s32 s29, v11;
	s29 =	smov.u32 s30;
	s30 =	smov.u32 s3  }
0xa2: {  	v14 =	vxor.u32 v5, v12;
	v12 =	vld [tilespmem:s31+$0xFFFFFFFF];
	v15 =	vxor.u32 v6, v9;
	v13 =	vadd.s32 v1, v11  }
0xa3: {  	v9 =	vld [tilespmem:s31+$0x0];
	v11 =	vor.u32 v14, v15;
	vm0 =	vlt.s32 v10, v13  }
0xa4: {  	_ =	sdelay $0x2  }
0xa5: {  	s0 =	smov.u32 s29;
	s29 =	smov.u32 s30;
	v14 =	vmov v12  }
.LBB2_10:
0xa6: {  	vm1 =	vlt.s32 @p0 v11, $0x1  }
0xa7: {  	v11 =	vnsel @p0 vm1, $0x1, v11  }
0xa8: {  	v12 =	vxor.u32 v5, v14;
	v9 =	vxor.u32 v6, v9;
	v11 =	vshll.u32 @p0 v11, $0x1B  }
0xa9: {  	v10 =	vsel @p1 vm0, v10, v13;
	v9 =	vor.u32 v12, v9;
	v11 =	vadd.s32 @p0 s0, v11  }
0xaa: {  	v10 =	vpsel p1, v10, v8;
	vm0 =	vlt.s32 v9, $0x1;
	v11 =	vadd.s32 @p0 v1, v11  }
0xab: {  	v9 =	vnsel vm0, $0x1, v9;
	vm1 =	vlt.s32 @p0 v10, v11  }
0xac: {  	v9 =	vshll.u32 v9, $0x1B;
	v11 =	vpsel p0, v11, v0;
	vm0 =	vmmov @p0 vm1  }
0xad: {  	v9 =	vadd.s32 s29, v9;
	v10 =	vsel @p0 vm0, v10, v11  }
0xae: {  	v9 =	vadd.s32 v1, v9;
	v10 =	vpsel p0, v10, v8  }
0xaf: {  	vm15 =	vlt.s32 v10, v9  }
0xb0: {  	v9 =	vsel vm15, v10, v9  }
.LBB2_11:
0xb1: {  	[tilespmem:$0x4310] =	vst v8  }
0xb2: {  	[tilespmem:$0x4300] =	vst v9  }
0xb3: {  	v10 =	vld [tilespmem:$0x4308];
	_ =	sdelay $0x4  }
0xb4: {  	vm0 =	vlt.s32 v9, v10  }
0xb5: {  	v9 =	vsel vm0, v9, v10  }
0xb6: {  	[tilespmem:$0x4300] =	vst v9  }
0xb7: {  	v10 =	vld [tilespmem:$0x4304];
	_ =	sdelay $0x4  }
0xb8: {  	vm0 =	vlt.s32 v9, v10  }
0xb9: {  	v9 =	vsel vm0, v9, v10  }
0xba: {  	[tilespmem:$0x4300] =	vst v9  }
0xbb: {  	v10 =	vld [tilespmem:$0x4302];
	_ =	sdelay $0x4  }
0xbc: {  	vm0 =	vlt.s32 v9, v10  }
0xbd: {  	v9 =	vsel vm0, v9, v10  }
0xbe: {  	[tilespmem:$0x4300] =	vst v9  }
0xbf: {  	v10 =	vld [tilespmem:$0x4301];
	_ =	sdelay $0x4  }
0xc0: {  	vm0 =	vlt.s32 v9, v10  }
0xc1: {  	v9 =	vsel vm0, v9, v10  }
0xc2: {  	(v2sf) =	vpush v9, $0x0;
	_ =	sdelay $0xe  }
0xc3: {  	s29 =	spop (v2sf)  }
0xc4: {  	s30 =	sadd.s32 $0xFFFFFFFD, s29  }
0xc5: {  	p0 =	sgt.s32 s30, $0x0  }
0xc6: {  	s30 =	simm.s32 @!p0 $0x0  }
0xc7: {  	p0 =	sge.s32 s30, s28  }
.Ltmp7:
0xc8: {  	_ = 	snop;
	(pc) =	sbr.rel @p0 .LBB2_15-.Ltmp7, $2  }
0xc9: {  	_ =	sdelay $0x2  }
0xca: {  	v10 =	vimm.s32 $0x8000000;
	[tilespmem:$0x4300] =	vst v9;
	v9 =	vimm.s32 $0x8000000  }
0xcb: {  	s0 =	sshll.u32 s30, $0x2  }
0xcc: {  	s0 =	sshra.s32 s0, $0x2  }
0xcd: {  	s0 =	sadd.s32 $0x2, s0  }
0xce: {  	v12 =	vld [tilespmem:s0+$0x2]  }
0xcf: {  	v13 =	vld [tilespmem:s0+$0x1]  }
0xd0: {  	v17 =	vld [tilespmem:s0+$0x0]  }
0xd1: {  	v18 =	vld [tilespmem:s0+$0xFFFFFFFE]  }
0xd2: {  	v19 =	vld [tilespmem:s0+$0xFFFFFFFF];
	_ =	sdelay $0x1  }
0xd3: {  	v8 =	vbroadcast v7, $0x0  }
0xd4: {  	v10 =	vbroadcast v7, $0x1;
	v11 =	vbroadcast v7, $0x2;
	v7 =	vimm.s32 $0x8000000  }
0xd5: {  	v9 =	vadd.s32 s30, v1;
	s30 =	sadd.s32 $0x10, s30;
	v14 =	vxor.u32 v6, v17;
	v15 =	vxor.u32 v6, v13  }
0xd6: {  	p0 =	slt.s32 s30, s28;
	v16 =	vxor.u32 v6, v12;
	v12 =	vxor.u32 v5, v19;
	v20 =	vxor.u32 v11, v18  }
.Ltmp8:
0xd7: {  	v21 =	vxor.u32 v5, v17;
	v22 =	vxor.u32 v10, v18;
	v18 =	vxor.u32 v8, v18;
	(pc) =	sbr.rel @!p0 .LBB2_14-.Ltmp8, $4  }
0xd8: {  	v23 =	vxor.u32 v10, v19;
	v19 =	vxor.u32 v11, v19;
	v17 =	vxor.u32 v11, v17  }
0xd9: {  	v13 =	vxor.u32 v5, v13;
	v18 =	vor.u32 v18, v23;
	v19 =	vor.u32 v22, v19  }
0xda: {  	v63 =	vor.u32 v17, v18;
	v17 =	vor.u32 v20, v12;
	v18 =	vor.u32 v21, v19  }
0xdb: {  	s31 =	sadd.s32 $0x10, s0;
	v12 =	vimm.s32 $0x8000000;
	v19 =	vor.u32 v13, v63;
	v13 =	vimm.s32 $0x8000000  }
.LBB2_13:
0xdc: {  	v20 =	vld [tilespmem:s31+$0x2];
	v14 =	vor.u32 v14, v17;
	v15 =	vor.u32 v15, v18;
	v16 =	vor.u32 v16, v19;
	s0 =	smov.u32 s30  }
0xdd: {  	v17 =	vld [tilespmem:s31+$0x1];
	vm0 =	vlt.s32 v14, $0x1;
	vm1 =	vlt.s32 v15, $0x1;
	vm2 =	vlt.s32 v16, $0x1  }
0xde: {  	v18 =	vld [tilespmem:s31+$0x0];
	v14 =	vnsel vm0, $0x1, v14;
	v15 =	vnsel vm1, $0x1, v15;
	v16 =	vnsel vm2, $0x1, v16  }
0xdf: {  	v19 =	vld [tilespmem:s31+$0xFFFFFFFE];
	v14 =	vshll.u32 v14, $0x1B;
	v15 =	vshll.u32 v15, $0x1B;
	v16 =	vshll.u32 v16, $0x1B  }
0xe0: {  	v21 =	vld [tilespmem:s31+$0xFFFFFFFF];
	v14 =	vadd.s32 v9, v14;
	v15 =	vadd.s32 v9, v15;
	v9 =	vadd.s32 v9, v16  }
0xe1: {  	s30 =	sadd.s32 $0x10, s30;
	vm0 =	vlt.s32 v7, v14;
	vm1 =	vlt.s32 v12, v15;
	vm2 =	vlt.s32 v13, v9  }
0xe2: {  	p0 =	slt.s32 s30, s28;
	v7 =	vsel vm0, v7, v14;
	v12 =	vsel vm1, v12, v15;
	v13 =	vsel vm2, v13, v9  }
0xe3: {  	v9 =	vadd.s32 s0, v1  }
0xe4: {  	v16 =	vxor.u32 v6, v20;
	v15 =	vxor.u32 v6, v17;
	v14 =	vxor.u32 v6, v18  }
.Ltmp9:
0xe5: {  	v23 =	vxor.u32 v5, v18;
	v22 =	vxor.u32 v11, v19;
	v20 =	vxor.u32 v5, v21;
	(pc) =	sbr.rel @p0 .LBB2_13-.Ltmp9, $4  }
0xe6: {  	v24 =	vxor.u32 v10, v19;
	v19 =	vxor.u32 v8, v19;
	v25 =	vxor.u32 v10, v21  }
0xe7: {  	v18 =	vxor.u32 v11, v18;
	v21 =	vxor.u32 v11, v21;
	v19 =	vor.u32 v19, v25  }
0xe8: {  	v21 =	vor.u32 v24, v21;
	v24 =	vxor.u32 v5, v17;
	v19 =	vor.u32 v18, v19  }
0xe9: {  	s31 =	sadd.s32 $0x10, s31;
	v17 =	vor.u32 v22, v20;
	v18 =	vor.u32 v23, v21;
	v19 =	vor.u32 v24, v19  }
.LBB2_14:
0xea: {  	v5 =	vor.u32 v14, v17;
	v6 =	vor.u32 v15, v18;
	v8 =	vor.u32 v16, v19  }
0xeb: {  	vm0 =	vlt.s32 v5, $0x1;
	vm1 =	vlt.s32 v6, $0x1;
	vm2 =	vlt.s32 v8, $0x1  }
0xec: {  	v5 =	vnsel vm0, $0x1, v5;
	v6 =	vnsel vm1, $0x1, v6;
	v8 =	vnsel vm2, $0x1, v8  }
0xed: {  	v5 =	vshll.u32 v5, $0x1B;
	v6 =	vshll.u32 v6, $0x1B;
	v8 =	vshll.u32 v8, $0x1B  }
0xee: {  	v5 =	vadd.s32 v9, v5;
	v6 =	vadd.s32 v9, v6;
	v9 =	vadd.s32 v9, v8  }
0xef: {  	vm13 =	vlt.s32 v7, v5;
	vm14 =	vlt.s32 v12, v6;
	vm15 =	vlt.s32 v13, v9  }
0xf0: {  	v8 =	vsel vm13, v7, v5;
	v10 =	vsel vm14, v12, v6;
	v9 =	vsel vm15, v13, v9  }
.LBB2_15:
0xf1: {  	[tilespmem:$0x4300] =	vst v8  }
0xf2: {  	v5 =	vld [tilespmem:$0x4308];
	_ =	sdelay $0x4  }
0xf3: {  	vm0 =	vlt.s32 v8, v5  }
0xf4: {  	v5 =	vsel vm0, v8, v5  }
0xf5: {  	[tilespmem:$0x4300] =	vst v5  }
0xf6: {  	v6 =	vld [tilespmem:$0x4304];
	_ =	sdelay $0x4  }
0xf7: {  	vm0 =	vlt.s32 v5, v6  }
0xf8: {  	v5 =	vsel vm0, v5, v6  }
0xf9: {  	[tilespmem:$0x4300] =	vst v5  }
0xfa: {  	v6 =	vld [tilespmem:$0x4302];
	_ =	sdelay $0x4  }
0xfb: {  	vm0 =	vlt.s32 v5, v6  }
0xfc: {  	v5 =	vsel vm0, v5, v6  }
0xfd: {  	[tilespmem:$0x4300] =	vst v5  }
0xfe: {  	v6 =	vld [tilespmem:$0x4301];
	[tilespmem:$0x4300] =	vst v10  }
0xff: {  	v7 =	vld [tilespmem:$0x4308];
	_ =	sdelay $0x4  }
0x100: {  	vm10 =	vlt.s32 v10, v7  }
0x101: {  	v7 =	vsel vm10, v10, v7  }
0x102: {  	[tilespmem:$0x4300] =	vst v7  }
0x103: {  	v8 =	vld [tilespmem:$0x4304];
	_ =	sdelay $0x4  }
0x104: {  	vm0 =	vlt.s32 v7, v8  }
0x105: {  	v7 =	vsel vm0, v7, v8  }
0x106: {  	[tilespmem:$0x4300] =	vst v7  }
0x107: {  	v8 =	vld [tilespmem:$0x4302];
	_ =	sdelay $0x4  }
0x108: {  	vm0 =	vlt.s32 v7, v8  }
0x109: {  	v7 =	vsel vm0, v7, v8  }
0x10a: {  	[tilespmem:$0x4300] =	vst v7  }
0x10b: {  	v8 =	vld [tilespmem:$0x4301];
	[tilespmem:$0x4300] =	vst v9  }
0x10c: {  	v10 =	vld [tilespmem:$0x4308];
	_ =	sdelay $0x4  }
0x10d: {  	vm11 =	vlt.s32 v9, v10  }
0x10e: {  	v9 =	vsel vm11, v9, v10  }
0x10f: {  	[tilespmem:$0x4300] =	vst v9  }
0x110: {  	v10 =	vld [tilespmem:$0x4304];
	_ =	sdelay $0x4  }
0x111: {  	vm0 =	vlt.s32 v9, v10  }
0x112: {  	v9 =	vsel vm0, v9, v10  }
0x113: {  	[tilespmem:$0x4300] =	vst v9  }
0x114: {  	v10 =	vld [tilespmem:$0x4302];
	_ =	sdelay $0x4  }
0x115: {  	vm0 =	vlt.s32 v9, v10  }
0x116: {  	v9 =	vsel vm0, v9, v10  }
0x117: {  	[tilespmem:$0x4300] =	vst v9  }
0x118: {  	v10 =	vld [tilespmem:$0x4301];
	_ =	sdelay $0x2  }
0x119: {  	vm12 =	vlt.s32 v5, v6  }
0x11a: {  	v5 =	vsel vm12, v5, v6;
	vm13 =	vlt.s32 v7, v8  }
0x11b: {  	(v2sf) =	vpush v5, $0x0;
	v5 =	vsel vm13, v7, v8;
	vm14 =	vlt.s32 v9, v10  }
0x11c: {  	(v2sf) =	vpush v5, $0x0;
	v5 =	vsel vm14, v9, v10  }
0x11d: {  	(v2sf) =	vpush v5, $0x0;
	_ =	sdelay $0xb  }
0x11e: {  	s3 =	sadd.s32 $0xFFFFFFFD, s26;
	s30 =	sadd.s32 $0xFFFFFFFB, s26  }
0x11f: {  	s31 =	sadd.s32 $0xFFFFFFFC, s26;
	p0 =	sgt.s32 s29, s3;
	s0 =	spop (v2sf)  }
0x120: {  	s29 =	simm.s32 @p0 $0x8000000;
	p0 =	sgt.s32 s0, s31;
	s28 =	spop (v2sf)  }
0x121: {  	s31 =	sadd.s32 $0xFFFFFFFA, s26;
	s0 =	simm.s32 @p0 $0x8000000;
	s3 =	spop (v2sf)  }
0x122: {  	p1 =	sgt.s32 s28, s30;
	s30 =	simm.s32 $0x3;
	p0 =	sgt.s32 s3, s31  }
0x123: {  	s28 =	simm.s32 @p1 $0x8000000;
	s3 =	simm.s32 @p0 $0x8000000;
	p0 =	slt.s32 s0, $0x8000000  }
0x124: {  	p1 =	slt.s32 s28, $0x8000000;
	s29 =	smov.u32 @p0 s0;
	s30 =	simm.s32 @!p0 $0x2  }
0x125: {  	p0 =	slt.s32 s3, $0x8000000;
	s29 =	smov.u32 @p1 s28;
	s30 =	simm.s32 @p1 $0x4  }
0x126: {  	s29 =	smov.u32 @p0 s3;
	s30 =	simm.s32 @p0 $0x5  }
0x127: {  	p0 =	slt.s32 s29, $0x8000000;
	s0 =	sadd.s32 s30, s29  }
0x128: {  	[tilespmem:$0x4300] =	vst v5;
	s0 =	simm.s32 @!p0 $0x0  }
0x129: {  	v5 =	vld [tilespmem:s0+$0x0];
	s0 =	ssub.s32 s26, s0  }
0x12a: {  	p1 =	slt.s32 s0, $0x8  }
0x12b: {  	s0 =	simm.s32 @!p1 $0x8  }
0x12c: {  	s0 =	simm.s32 @!p0 $0x0  }
0x12d: {  	p0 =	sgt.s32 s29, $0x7FFFFFF;
	v6 =	vadd.s32 s0, v2;
	s0 =	simm.s32 $0x1  }
0x12e: {  	s25 =	sshll.u32 s25, $0xA;
	vm15 =	vlt.s32 v6, $0x1;
	s0 =	simm.s32 @!p0 $0x0;
	v5 =	vand.u32 v3, v5  }
0x12f: {  	s26 =	sor.u32 s24, s25;
	v5 =	vsel vm15, v3, v5;
	v6 =	vand.u32 s0, v4  }
0x130: {  	s0 =	sshrl.u32 s26, $0x3;
	v5 =	vor.u32 v6, v5  }
0x131: {  	s26 =	simm.s32 $0x0;
	s0 =	sadd.s32 s5, s0;
	[tilespmem:$0x4200] =	vst v5  }
0x132: {  	[hbm4b:s0+s26] =	stream.linear.scatter [tilespmem:s17], [sflag:$0x1], $0x80, $0x38;
	[tilespmem:$0x4380] =	vst v63  }
0x133: {  	_ =	swait.ge [sflag:s18], $0x2000  }
0x134: {  	[sflag:s18] =	ssyncset.done $0x0  }
0x135: {  	[sflag:s18] =	ssyncadd.s32 $0xFFFFE000  }
0x136: {  	v5 =	vld [tilespmem:s23+$0x4100];
	_ =	sdelay $0x4  }
0x137: {  	(v2sf) =	vpush v5, $0x0;
	_ =	sdelay $0xe  }
0x138: {  	s23 =	spop (v2sf)  }
0x139: {  	s28 =	sadd.s32 $0xD, s23  }
0x13a: {  	s29 =	sand.u32 $0xF, s28  }
0x13b: {  	s30 =	sshra.s32 s28, $0x1F;
	p5 =	slt.s32 s28, $0x1;
	p6 =	sne.s32 s29, $0x0  }
0x13c: {  	s31 =	sshrl.u32 s30, $0x1C;
	p0 =	por !p5, !p6  }
0x13d: {  	s3 =	simm.s32 $0x1;
	s0 =	sadd.s32 s31, s28;
	p0 =	por !p0, !p0  }
0x13e: {  	s0 =	sshrl.u32 s0, $0x4;
	s3 =	simm.s32 @!p0 $0x0  }
0x13f: {  	s0 =	ssub.s32 s0, s3  }
0x140: {  	s24 =	sshll.u32 s0, $0x4  }
0x141: {  	v7 =	vld [tilespmem:s23+$0x207B];
	p0 =	slt.s32 s24, $0x1  }
.Ltmp10:
0x142: {  	_ = 	snop;
	(pc) =	sbr.rel @p0 .LBB2_25-.Ltmp10, $3  }
0x143: {  	_ =	sdelay $0x1  }
0x144: {  	v8 =	vimm.s32 $0x8000000  }
0x145: {  	v9 =	vimm.s32 $0x8000000;
	v5 =	vbroadcast v7, $0x3;
	v6 =	vbroadcast v7, $0x4;
	s0 =	simm.s32 $0x2081  }
0x146: {  	p2 =	sgt.s32 s24, $0x10  }
.Ltmp11:
0x147: {  	_ = 	snop;
	(pc) =	sbr.rel @!p2 .LBB2_17-.Ltmp11, $3  }
0x148: {  	_ =	sdelay $0x1  }
0x149: {  	v12 =	vld [tilespmem:s0+$0xFFFFFFFF]  }
0x14a: {  	s25 =	simm.s32 $0x10;
	v9 =	vld [tilespmem:s0+$0x0];
	p0 =	por $0x0, $0x0;
	p1 =	por $0x0, $0x0  }
0x14b: {  	p2 =	sgt.s32 s24, $0x20  }
.Ltmp12:
0x14c: {  	_ = 	snop;
	(pc) =	sbr.rel @!p2 .LBB2_19-.Ltmp12, $4  }
0x14d: {  	_ = 	snop  }
0x14e: {  	s0 =	simm.s32 $0x2091  }
0x14f: {  	v14 =	vld [tilespmem:s0+$0xFFFFFFFF];
	v10 =	vxor.u32 v5, v12;
	v11 =	vxor.u32 v6, v9  }
0x150: {  	s28 =	simm.s32 $0x20;
	p0 =	por $0x1, $0x1;
	v9 =	vld [tilespmem:s0+$0x0];
	v11 =	vor.u32 v10, v11  }
0x151: {  	vm0 =	vlt.s32 v11, $0x1;
	p2 =	sgt.s32 s24, $0x30  }
.Ltmp13:
0x152: {  	v10 =	vnsel vm0, $0x1, v11;
	(pc) =	sbr.rel @!p2 .LBB2_21-.Ltmp13, $4  }
0x153: {  	v10 =	vshll.u32 v10, $0x1B  }
0x154: {  	s29 =	simm.s32 $0x20A1;
	v10 =	vadd.s32 s26, v10  }
0x155: {  	v12 =	vld [tilespmem:s29+$0xFFFFFFFF];
	v11 =	vxor.u32 v5, v14;
	v14 =	vxor.u32 v6, v9;
	v13 =	vadd.s32 v1, v10  }
0x156: {  	s0 =	simm.s32 $0x30;
	p1 =	por $0x1, $0x1;
	v9 =	vld [tilespmem:s29+$0x0];
	v10 =	vimm.s32 $0x8000000;
	v11 =	vor.u32 v11, v14;
	vm0 =	vlt.s32 v8, v13  }
.LBB2_22:
0x157: {  	s3 =	smov.u32 s0;
	s0 =	sadd.s32 $0x10, s0  }
0x158: {  	vm1 =	vlt.s32 v11, $0x1;
	v10 =	vsel vm0, v10, v13;
	p2 =	slt.s32 s0, s24  }
.Ltmp14:
0x159: {  	v11 =	vnsel vm1, $0x1, v11;
	(pc) =	sbr.rel @p2 .LBB2_22-.Ltmp14, $4  }
0x15a: {  	v11 =	vshll.u32 v11, $0x1B  }
0x15b: {  	s29 =	sadd.s32 $0x10, s29;
	v11 =	vadd.s32 s25, v11;
	s25 =	smov.u32 s28;
	s28 =	smov.u32 s3  }
0x15c: {  	v14 =	vxor.u32 v5, v12;
	v12 =	vld [tilespmem:s29+$0xFFFFFFFF];
	v15 =	vxor.u32 v6, v9;
	v13 =	vadd.s32 v1, v11  }
0x15d: {  	v9 =	vld [tilespmem:s29+$0x0];
	v11 =	vor.u32 v14, v15;
	vm0 =	vlt.s32 v10, v13  }
0x15e: {  	_ =	sdelay $0x2  }
0x15f: {  	s26 =	smov.u32 s25;
	s25 =	smov.u32 s28;
	v14 =	vmov v12  }
.LBB2_24:
0x160: {  	vm1 =	vlt.s32 @p0 v11, $0x1  }
0x161: {  	v11 =	vnsel @p0 vm1, $0x1, v11  }
0x162: {  	v12 =	vxor.u32 v5, v14;
	v9 =	vxor.u32 v6, v9;
	v11 =	vshll.u32 @p0 v11, $0x1B  }
0x163: {  	v10 =	vsel @p1 vm0, v10, v13;
	v9 =	vor.u32 v12, v9;
	v11 =	vadd.s32 @p0 s26, v11  }
0x164: {  	v10 =	vpsel p1, v10, v8;
	vm0 =	vlt.s32 v9, $0x1;
	v11 =	vadd.s32 @p0 v1, v11  }
0x165: {  	v9 =	vnsel vm0, $0x1, v9;
	vm1 =	vlt.s32 @p0 v10, v11  }
0x166: {  	v9 =	vshll.u32 v9, $0x1B;
	v11 =	vpsel p0, v11, v0;
	vm0 =	vmmov @p0 vm1  }
0x167: {  	v9 =	vadd.s32 s25, v9;
	v10 =	vsel @p0 vm0, v10, v11  }
0x168: {  	v9 =	vadd.s32 v1, v9;
	v10 =	vpsel p0, v10, v8  }
0x169: {  	vm15 =	vlt.s32 v10, v9  }
0x16a: {  	v9 =	vsel vm15, v10, v9  }
.LBB2_25:
0x16b: {  	[tilespmem:$0x4310] =	vst v8  }
0x16c: {  	[tilespmem:$0x4300] =	vst v9  }
0x16d: {  	v10 =	vld [tilespmem:$0x4308];
	_ =	sdelay $0x4  }
0x16e: {  	vm0 =	vlt.s32 v9, v10  }
0x16f: {  	v9 =	vsel vm0, v9, v10  }
0x170: {  	[tilespmem:$0x4300] =	vst v9  }
0x171: {  	v10 =	vld [tilespmem:$0x4304];
	_ =	sdelay $0x4  }
0x172: {  	vm0 =	vlt.s32 v9, v10  }
0x173: {  	v9 =	vsel vm0, v9, v10  }
0x174: {  	[tilespmem:$0x4300] =	vst v9  }
0x175: {  	v10 =	vld [tilespmem:$0x4302];
	_ =	sdelay $0x4  }
0x176: {  	vm0 =	vlt.s32 v9, v10  }
0x177: {  	v9 =	vsel vm0, v9, v10  }
0x178: {  	[tilespmem:$0x4300] =	vst v9  }
0x179: {  	v10 =	vld [tilespmem:$0x4301];
	_ =	sdelay $0x4  }
0x17a: {  	vm0 =	vlt.s32 v9, v10  }
0x17b: {  	v9 =	vsel vm0, v9, v10  }
0x17c: {  	(v2sf) =	vpush v9, $0x0;
	_ =	sdelay $0xe  }
0x17d: {  	s25 =	spop (v2sf)  }
0x17e: {  	s26 =	sadd.s32 $0xFFFFFFFD, s25  }
0x17f: {  	p0 =	sgt.s32 s26, $0x0  }
0x180: {  	s26 =	simm.s32 @!p0 $0x0  }
0x181: {  	p0 =	sge.s32 s26, s24  }
.Ltmp15:
0x182: {  	_ = 	snop;
	(pc) =	sbr.rel @p0 .LBB2_29-.Ltmp15, $2  }
0x183: {  	_ =	sdelay $0x2  }
0x184: {  	v10 =	vimm.s32 $0x8000000;
	[tilespmem:$0x4300] =	vst v9;
	v9 =	vimm.s32 $0x8000000  }
0x185: {  	s0 =	sshll.u32 s26, $0x2  }
0x186: {  	s0 =	sshra.s32 s0, $0x2  }
0x187: {  	s0 =	sadd.s32 $0x2082, s0  }
0x188: {  	v12 =	vld [tilespmem:s0+$0x2]  }
0x189: {  	v13 =	vld [tilespmem:s0+$0x1]  }
0x18a: {  	v17 =	vld [tilespmem:s0+$0x0]  }
0x18b: {  	v18 =	vld [tilespmem:s0+$0xFFFFFFFE]  }
0x18c: {  	v19 =	vld [tilespmem:s0+$0xFFFFFFFF];
	_ =	sdelay $0x1  }
0x18d: {  	v8 =	vbroadcast v7, $0x0  }
0x18e: {  	v10 =	vbroadcast v7, $0x1;
	v11 =	vbroadcast v7, $0x2;
	v7 =	vimm.s32 $0x8000000  }
0x18f: {  	v9 =	vadd.s32 s26, v1;
	s26 =	sadd.s32 $0x10, s26;
	v14 =	vxor.u32 v6, v17;
	v15 =	vxor.u32 v6, v13  }
0x190: {  	p0 =	slt.s32 s26, s24;
	v16 =	vxor.u32 v6, v12;
	v12 =	vxor.u32 v5, v19;
	v20 =	vxor.u32 v11, v18  }
.Ltmp16:
0x191: {  	v21 =	vxor.u32 v5, v17;
	v22 =	vxor.u32 v10, v18;
	v18 =	vxor.u32 v8, v18;
	(pc) =	sbr.rel @!p0 .LBB2_28-.Ltmp16, $4  }
0x192: {  	v23 =	vxor.u32 v10, v19;
	v19 =	vxor.u32 v11, v19;
	v17 =	vxor.u32 v11, v17  }
0x193: {  	v13 =	vxor.u32 v5, v13;
	v18 =	vor.u32 v18, v23;
	v19 =	vor.u32 v22, v19  }
0x194: {  	v63 =	vor.u32 v17, v18;
	v17 =	vor.u32 v20, v12;
	v18 =	vor.u32 v21, v19  }
0x195: {  	s28 =	sadd.s32 $0x10, s0;
	v12 =	vimm.s32 $0x8000000;
	v19 =	vor.u32 v13, v63;
	v13 =	vimm.s32 $0x8000000  }
.LBB2_27:
0x196: {  	v20 =	vld [tilespmem:s28+$0x2];
	v14 =	vor.u32 v14, v17;
	v15 =	vor.u32 v15, v18;
	v16 =	vor.u32 v16, v19;
	s0 =	smov.u32 s26  }
0x197: {  	v17 =	vld [tilespmem:s28+$0x1];
	vm0 =	vlt.s32 v14, $0x1;
	vm1 =	vlt.s32 v15, $0x1;
	vm2 =	vlt.s32 v16, $0x1  }
0x198: {  	v18 =	vld [tilespmem:s28+$0x0];
	v14 =	vnsel vm0, $0x1, v14;
	v15 =	vnsel vm1, $0x1, v15;
	v16 =	vnsel vm2, $0x1, v16  }
0x199: {  	v19 =	vld [tilespmem:s28+$0xFFFFFFFE];
	v14 =	vshll.u32 v14, $0x1B;
	v15 =	vshll.u32 v15, $0x1B;
	v16 =	vshll.u32 v16, $0x1B  }
0x19a: {  	v21 =	vld [tilespmem:s28+$0xFFFFFFFF];
	v14 =	vadd.s32 v9, v14;
	v15 =	vadd.s32 v9, v15;
	v9 =	vadd.s32 v9, v16  }
0x19b: {  	s26 =	sadd.s32 $0x10, s26;
	vm0 =	vlt.s32 v7, v14;
	vm1 =	vlt.s32 v12, v15;
	vm2 =	vlt.s32 v13, v9  }
0x19c: {  	p0 =	slt.s32 s26, s24;
	v7 =	vsel vm0, v7, v14;
	v12 =	vsel vm1, v12, v15;
	v13 =	vsel vm2, v13, v9  }
0x19d: {  	v9 =	vadd.s32 s0, v1  }
0x19e: {  	v16 =	vxor.u32 v6, v20;
	v15 =	vxor.u32 v6, v17;
	v14 =	vxor.u32 v6, v18  }
.Ltmp17:
0x19f: {  	v23 =	vxor.u32 v5, v18;
	v22 =	vxor.u32 v11, v19;
	v20 =	vxor.u32 v5, v21;
	(pc) =	sbr.rel @p0 .LBB2_27-.Ltmp17, $4  }
0x1a0: {  	v24 =	vxor.u32 v10, v19;
	v19 =	vxor.u32 v8, v19;
	v25 =	vxor.u32 v10, v21  }
0x1a1: {  	v18 =	vxor.u32 v11, v18;
	v21 =	vxor.u32 v11, v21;
	v19 =	vor.u32 v19, v25  }
0x1a2: {  	v21 =	vor.u32 v24, v21;
	v24 =	vxor.u32 v5, v17;
	v19 =	vor.u32 v18, v19  }
0x1a3: {  	s28 =	sadd.s32 $0x10, s28;
	v17 =	vor.u32 v22, v20;
	v18 =	vor.u32 v23, v21;
	v19 =	vor.u32 v24, v19  }
.Ltmp18:
0x1a4: {  	_ = 	snop;
	(pc) =	sbr.rel .LBB2_28-.Ltmp18, $1  }
0x1a5: {  	_ =	sdelay $0x3  }
.LBB2_3:
.Ltmp19:
0x1a6: {  	(pc) =	sbr.rel .LBB2_10-.Ltmp19, $2  }
0x1a7: {  	_ =	sdelay $0x2  }
0x1a8: {  	v10 =	vimm.s32 $0x8000000;
	s29 =	simm.s32 $0x0;
	v14 =	vmov v12  }
.LBB2_17:
.Ltmp20:
0x1a9: {  	(pc) =	sbr.rel .LBB2_24-.Ltmp20, $2  }
0x1aa: {  	_ =	sdelay $0x2  }
0x1ab: {  	v10 =	vimm.s32 $0x8000000;
	s25 =	simm.s32 $0x0;
	v14 =	vmov v12  }
.LBB2_5:
.Ltmp21:
0x1ac: {  	(pc) =	sbr.rel .LBB2_10-.Ltmp21, $2  }
0x1ad: {  	_ =	sdelay $0x2  }
0x1ae: {  	v10 =	vimm.s32 $0x8000000;
	s0 =	simm.s32 $0x0  }
.LBB2_19:
.Ltmp22:
0x1af: {  	(pc) =	sbr.rel .LBB2_24-.Ltmp22, $2  }
0x1b0: {  	_ =	sdelay $0x2  }
0x1b1: {  	v10 =	vimm.s32 $0x8000000  }
.LBB2_7:
.Ltmp23:
0x1b2: {  	(pc) =	sbr.rel .LBB2_10-.Ltmp23, $2  }
0x1b3: {  	_ =	sdelay $0x2  }
0x1b4: {  	v10 =	vimm.s32 $0x8000000;
	s0 =	simm.s32 $0x10;
	s29 =	simm.s32 $0x20;
	v14 =	vmov v12  }
.LBB2_21:
.Ltmp24:
0x1b5: {  	(pc) =	sbr.rel .LBB2_24-.Ltmp24, $2  }
0x1b6: {  	_ =	sdelay $0x2  }
0x1b7: {  	v10 =	vimm.s32 $0x8000000;
	s26 =	simm.s32 $0x10;
	s25 =	simm.s32 $0x20;
	v14 =	vmov v12  }
.LBB2_30:
0x1b8: {  	_ =	sfence.sel $0x180000  }
0x1b9: {  	[bflag:$0x0] =	sbarrier.arrive $0xFFFF  }
0x1ba: {  	_ =	strace $0x90000047  }
0x1bb: {  	s0 =	stileid.u32;
	[bflag:$0x2] =	sbarrier.arrive $0xFFFF  }
0x1bc: {  	p0 =	sne.s32 s0, $0x0;
	s0 =	rddreg [dreg:$0x4]  }
0x1bd: {  	s0 =	sadd.s32 @!p0 $0x100000, s0  }
0x1be: {  	[sflag:s0] =	ssyncadd.tile.s32 @!p0 $0x1;
	_ =	shalt  }
.Lfunc_end2:
_tile_overlayer_lowered:
.L_overlay_start_2:
0x1bf: {  	(tag) =	ssettag $0x2  }
0x1c0: {  	s0 =	rddreg [dreg:$0x0];
	s2 =	stileid.u32  }
0x1c1: {  	s1 =	rddreg [dreg:$0x1];
	p0 =	sne.s32 s2, $0x0  }
0x1c2: {  	s3 =	rddreg [dreg:$0x2];
	[bflag:$0x3] =	sbarrier.arrive $0xFFFF;
	s2 =	simm.s32 @!p0 $0x1C03  }
0x1c3: {  	[timem:s3], [sflag:s2] =	dma.local @!p0 [hbm:s0], s1  }
0x1c4: {  	s0 =	simm.s32 @!p0 $0x3  }
0x1c5: {  	_ =	swait.ge @!p0 [sflag:s0], s1  }
0x1c6: {  	s1 =	ssub.s32 @!p0 $0x0, s1;
	[sflag:s0] =	ssyncset.done @!p0 $0x0  }
0x1c7: {  	[sflag:s0] =	ssyncadd.s32 @!p0 s1  }
0x1c8: {  	[bflag:$0x3] =	sbarrier.arrive $0xFFFF  }
0x1c9: {  	_ =	shalt  }

</sc_bundles>
